<compile_context>
chip_gen: v7x
topology: tpu7x:2x2x1
jax: 0.10.2.dev20260603
libtpu: 0.0.44.dev20260713+nightly
codegen_flags: <defaults>
</compile_context>

<pallas_src>
import functools

import jax
import jax.numpy as jnp
from jax import lax
from jax.experimental import pallas as pl
from jax.experimental.pallas import tpu as pltpu
from jax.experimental.pallas import tpu_sc as plsc

D = 128
NC, NS = 2, 16
NW = NC * NS
CH = 128
LAG = 3


@functools.lru_cache(maxsize=None)
def _make_gather(b: int, v: int):
    bpw = -(-b // NW)
    bpw = ((bpw + 7) // 8) * 8
    assert b >= bpw >= CH and b % 8 == 0
    nch = -(-bpw // CH)
    nbuf = next((k for k in (5, 4, 6, 3, 7, 2) if nch % k == 0), None)
    if nbuf is None:
        nbuf = 4
        nch = -(-nch // nbuf) * nbuf
    nout = nch // nbuf
    mesh = plsc.VectorSubcoreMesh(core_axis_name="c", subcore_axis_name="s")

    @functools.partial(
        pl.kernel,
        out_type=jax.ShapeDtypeStruct((b, D), jnp.float32),
        mesh=mesh,
        scratch_types=[
            pltpu.VMEM((bpw,), jnp.int32),
            pltpu.VMEM((nbuf, CH, D), jnp.float32),
            [pltpu.SemaphoreType.DMA] * nbuf,
            [pltpu.SemaphoreType.DMA] * nbuf,
        ],
    )
    def gather_kernel(x_hbm, idx_hbm, out_hbm, idx_v, buf_v, gsems, wsems):
        wid = lax.axis_index("s") * NC + lax.axis_index("c")
        base = wid * bpw
        stage = jnp.minimum(base, b - bpw)
        end = jnp.minimum(base + bpw, b)
        pltpu.sync_copy(idx_hbm.at[pl.ds(stage, bpw)], idx_v)

        def start(g):
            return jnp.minimum(base + g * CH, end - CH)

        def gather(g, bf):
            s = start(g)
            pltpu.async_copy(
                x_hbm.at[idx_v.at[pl.ds(s - stage, CH)]], buf_v.at[bf],
                gsems[bf])

        def wait_gather(bf):
            pltpu.make_async_copy(
                x_hbm.at[idx_v.at[pl.ds(0, CH)]], buf_v.at[bf], gsems[bf]
            ).wait()

        def write(g, bf):
            pltpu.async_copy(
                buf_v.at[bf], out_hbm.at[pl.ds(start(g), CH)], wsems[bf])

        def wait_write(bf):
            pltpu.make_async_copy(
                buf_v.at[bf], out_hbm.at[pl.ds(0, CH)], wsems[bf]).wait()

        for bf in range(LAG):
            gather(bf, bf)

        @pl.loop(0, nout)
        def _(j):
            for bf in range(nbuf):
                g = j * nbuf + bf
                wait_gather(bf)
                write(g, bf)
                bb = (bf + LAG) % nbuf
                gg = g + LAG

                @pl.when(gg >= nbuf)
                def _():
                    wait_write(bb)

                @pl.when(gg < nch)
                def _():
                    gather(gg, bb)

        for bf in range(LAG, nbuf):
            wait_write(bf)

    return gather_kernel


def kernel(x, upsamples):
    idx = upsamples.reshape(-1)
    return _make_gather(idx.shape[0], x.shape[0])(x, idx)

# --- scband reference (transcript-rebuilt; emitter-appended) ---
"""Pipeline reference for scband-nearest-upsample-block-90718299226285 (READ-ONLY COPY).

The authoritative reference and input builder live on the scoring server;
editing this copy changes nothing except your own understanding.
"""

import jax, jax.numpy as jnp
import numpy as np


def setup_inputs(seed: int = 0) -> dict:
    key = jax.random.key(seed)
    k1, k2 = jax.random.split(key)
    x = jax.random.normal(k1, (50000, 128), dtype=jnp.float32)
    upsamples = jax.random.randint(k2, (100000, 1), 0, 50000, dtype=jnp.int32)
    return {"x": x, "upsamples": upsamples}


def reference(x, upsamples):
    # closest_pool from KPConv: pad x with a zero 'shadow' row, then gather
    # the feature of the closest coarse point (first neighbor) for each fine point.
    x_pad = jnp.concatenate([x, jnp.zeros_like(x[:1, :])], axis=0)
    return jnp.take(x_pad, upsamples[:, 0], axis=0)

if __name__ == "__main__":
    import jax
    _d = setup_inputs()
    print(jax.jit(kernel)(*tuple(_d.values())))

</pallas_src>

<mosaic_0001>
#map = affine_map<(d0, d1) -> (0, 0)>
#map1 = affine_map<(d0, d1) -> (0)>
module attributes {stable_mosaic.version = 14 : i64} {
  func.func @gather_kernel(%arg0: i32, %arg1: i32, %arg2: memref<50000x128xf32, #tpu.memory_space<hbm>>, %arg3: memref<100000xi32, #tpu.memory_space<hbm>>, %arg4: memref<100000x128xf32, #tpu.memory_space<hbm>>, %arg5: memref<3128xi32, #tpu.memory_space<vmem>>, %arg6: memref<5x128x128xf32, #tpu.memory_space<vmem>>, %arg7: memref<!tpu.dma_semaphore, #tpu.memory_space<semaphore_mem>>, %arg8: memref<!tpu.dma_semaphore, #tpu.memory_space<semaphore_mem>>, %arg9: memref<!tpu.dma_semaphore, #tpu.memory_space<semaphore_mem>>, %arg10: memref<!tpu.dma_semaphore, #tpu.memory_space<semaphore_mem>>, %arg11: memref<!tpu.dma_semaphore, #tpu.memory_space<semaphore_mem>>, %arg12: memref<!tpu.dma_semaphore, #tpu.memory_space<semaphore_mem>>, %arg13: memref<!tpu.dma_semaphore, #tpu.memory_space<semaphore_mem>>, %arg14: memref<!tpu.dma_semaphore, #tpu.memory_space<semaphore_mem>>, %arg15: memref<!tpu.dma_semaphore, #tpu.memory_space<semaphore_mem>>, %arg16: memref<!tpu.dma_semaphore, #tpu.memory_space<semaphore_mem>>) attributes {dimension_semantics = [#tpu.dimension_semantics<core_parallel>, #tpu.dimension_semantics<subcore_parallel>], iteration_bounds = array<i64: 2, 16>, scalar_prefetch = 0 : i64, scratch_operands = 12 : i64, tpu.core_type = #tpu.core_type<sc_vector_subcore>, window_params = [{transform_indices = #map}, {transform_indices = #map1}, {transform_indices = #map}]} {
    %mul3A = arith.constant 2 : i32
    %mul3A_0 = arith.muli %arg1, %mul3A : i32
    %add3A = arith.addi %mul3A_0, %arg0 : i32
    %mul3A_1 = arith.constant 3128 : i32
    %mul3A_2 = arith.muli %add3A, %mul3A_1 : i32
    %min3A = arith.constant 96872 : i32
    %min3A_3 = arith.minsi %mul3A_2, %min3A : i32
    %add3A_4 = arith.constant 3128 : i32
    %add3A_5 = arith.addi %mul3A_2, %add3A_4 : i32
    %min3A_6 = arith.constant 100000 : i32
    %min3A_7 = arith.minsi %add3A_5, %min3A_6 : i32
    "tpu.region"() ({
      %run_scoped3A = tpu.sem_alloc : memref<!tpu.dma_semaphore, #tpu.memory_space<semaphore_mem>>
      %dma_start3A_84 = tpu.memref_slice %arg3[%min3A_3] : memref<100000xi32, #tpu.memory_space<hbm>> -> memref<3128xi32, #tpu.memory_space<hbm>>
      %dma_start3A_85 = tpu.memref_slice %arg3[%min3A_3] : memref<100000xi32, #tpu.memory_space<hbm>> -> memref<3128xi32, #tpu.memory_space<hbm>>
      tpu.enqueue_dma source(%dma_start3A_85 : memref<3128xi32, #tpu.memory_space<hbm>>) target(%arg5 : memref<3128xi32, #tpu.memory_space<vmem>>) target_semaphore(%run_scoped3A : memref<!tpu.dma_semaphore, #tpu.memory_space<semaphore_mem>>)
      %dma_wait3A_86 = tpu.memref_slice %arg3[%min3A_3] : memref<100000xi32, #tpu.memory_space<hbm>> -> memref<3128xi32, #tpu.memory_space<hbm>>
      %dma_wait3A_87 = tpu.memref_slice %arg3[%min3A_3] : memref<100000xi32, #tpu.memory_space<hbm>> -> memref<3128xi32, #tpu.memory_space<hbm>>
      tpu.wait_dma2 semaphore(%run_scoped3A : memref<!tpu.dma_semaphore, #tpu.memory_space<semaphore_mem>>) src(%dma_wait3A_87 : memref<3128xi32, #tpu.memory_space<hbm>>) dst(%arg5 : memref<3128xi32, #tpu.memory_space<vmem>>)
      tpu.yield
    }) : () -> ()
    %add3A_8 = arith.constant 0 : i32
    %add3A_9 = arith.addi %mul3A_2, %add3A_8 : i32
    %sub3A = arith.constant 128 : i32
    %sub3A_10 = arith.subi %min3A_7, %sub3A : i32
    %min3A_11 = arith.minsi %add3A_9, %sub3A_10 : i32
    %sub3A_12 = arith.subi %min3A_11, %min3A_3 : i32
    %dma_start3A = arith.constant 0 : i32
    %dma_start3A_13 = arith.constant 0 : i32
    %dma_start3A_14 = arith.constant 0 : i32
    %dma_start3A_15 = tpu.memref_slice %arg6[%dma_start3A, %dma_start3A_13, %dma_start3A_14] : memref<5x128x128xf32, #tpu.memory_space<vmem>> -> memref<1x128x128xf32, #tpu.memory_space<vmem>>
    %dma_start3A_16 = tpu.memref_squeeze %dma_start3A_15 : memref<1x128x128xf32, #tpu.memory_space<vmem>> -> memref<128x128xf32, #tpu.memory_space<vmem>>
    %dma_start3A_17 = tpu.memref_slice %arg5[%sub3A_12] : memref<3128xi32, #tpu.memory_space<vmem>> -> memref<128xi32, #tpu.memory_space<vmem>>
    %dma_start3A_18 = arith.constant 0 : i32
    %dma_start3A_19 = arith.constant 0 : i32
    %dma_start3A_20 = tpu.memref_slice %arg2[%dma_start3A_18, %dma_start3A_19] : memref<50000x128xf32, #tpu.memory_space<hbm>> -> memref<50000x128xf32, #tpu.memory_space<hbm>>
    tpu.enqueue_indirect_dma source(%dma_start3A_20 : memref<50000x128xf32, #tpu.memory_space<hbm>>) target(%dma_start3A_16 : memref<128x128xf32, #tpu.memory_space<vmem>>) offsets(%dma_start3A_17 : memref<128xi32, #tpu.memory_space<vmem>>) semaphore(%arg7 : memref<!tpu.dma_semaphore, #tpu.memory_space<semaphore_mem>>)
    %add3A_21 = arith.constant 128 : i32
    %add3A_22 = arith.addi %mul3A_2, %add3A_21 : i32
    %sub3A_23 = arith.constant 128 : i32
    %sub3A_24 = arith.subi %min3A_7, %sub3A_23 : i32
    %min3A_25 = arith.minsi %add3A_22, %sub3A_24 : i32
    %sub3A_26 = arith.subi %min3A_25, %min3A_3 : i32
    %dma_start3A_27 = arith.constant 1 : i32
    %dma_start3A_28 = arith.constant 0 : i32
    %dma_start3A_29 = arith.constant 0 : i32
    %dma_start3A_30 = tpu.memref_slice %arg6[%dma_start3A_27, %dma_start3A_28, %dma_start3A_29] : memref<5x128x128xf32, #tpu.memory_space<vmem>> -> memref<1x128x128xf32, #tpu.memory_space<vmem>>
    %dma_start3A_31 = tpu.memref_squeeze %dma_start3A_30 : memref<1x128x128xf32, #tpu.memory_space<vmem>> -> memref<128x128xf32, #tpu.memory_space<vmem>>
    %dma_start3A_32 = tpu.memref_slice %arg5[%sub3A_26] : memref<3128xi32, #tpu.memory_space<vmem>> -> memref<128xi32, #tpu.memory_space<vmem>>
    %dma_start3A_33 = arith.constant 0 : i32
    %dma_start3A_34 = arith.constant 0 : i32
    %dma_start3A_35 = tpu.memref_slice %arg2[%dma_start3A_33, %dma_start3A_34] : memref<50000x128xf32, #tpu.memory_space<hbm>> -> memref<50000x128xf32, #tpu.memory_space<hbm>>
    tpu.enqueue_indirect_dma source(%dma_start3A_35 : memref<50000x128xf32, #tpu.memory_space<hbm>>) target(%dma_start3A_31 : memref<128x128xf32, #tpu.memory_space<vmem>>) offsets(%dma_start3A_32 : memref<128xi32, #tpu.memory_space<vmem>>) semaphore(%arg8 : memref<!tpu.dma_semaphore, #tpu.memory_space<semaphore_mem>>)
    %add3A_36 = arith.constant 256 : i32
    %add3A_37 = arith.addi %mul3A_2, %add3A_36 : i32
    %sub3A_38 = arith.constant 128 : i32
    %sub3A_39 = arith.subi %min3A_7, %sub3A_38 : i32
    %min3A_40 = arith.minsi %add3A_37, %sub3A_39 : i32
    %sub3A_41 = arith.subi %min3A_40, %min3A_3 : i32
    %dma_start3A_42 = arith.constant 2 : i32
    %dma_start3A_43 = arith.constant 0 : i32
    %dma_start3A_44 = arith.constant 0 : i32
    %dma_start3A_45 = tpu.memref_slice %arg6[%dma_start3A_42, %dma_start3A_43, %dma_start3A_44] : memref<5x128x128xf32, #tpu.memory_space<vmem>> -> memref<1x128x128xf32, #tpu.memory_space<vmem>>
    %dma_start3A_46 = tpu.memref_squeeze %dma_start3A_45 : memref<1x128x128xf32, #tpu.memory_space<vmem>> -> memref<128x128xf32, #tpu.memory_space<vmem>>
    %dma_start3A_47 = tpu.memref_slice %arg5[%sub3A_41] : memref<3128xi32, #tpu.memory_space<vmem>> -> memref<128xi32, #tpu.memory_space<vmem>>
    %dma_start3A_48 = arith.constant 0 : i32
    %dma_start3A_49 = arith.constant 0 : i32
    %dma_start3A_50 = tpu.memref_slice %arg2[%dma_start3A_48, %dma_start3A_49] : memref<50000x128xf32, #tpu.memory_space<hbm>> -> memref<50000x128xf32, #tpu.memory_space<hbm>>
    tpu.enqueue_indirect_dma source(%dma_start3A_50 : memref<50000x128xf32, #tpu.memory_space<hbm>>) target(%dma_start3A_46 : memref<128x128xf32, #tpu.memory_space<vmem>>) offsets(%dma_start3A_47 : memref<128xi32, #tpu.memory_space<vmem>>) semaphore(%arg9 : memref<!tpu.dma_semaphore, #tpu.memory_space<semaphore_mem>>)
    %scan3A = arith.constant 0 : i32
    %scan3A_51 = arith.constant 5 : i32
    %scan3A_52 = arith.addi %scan3A, %scan3A_51 : i32
    %scan3A_53 = arith.constant 1 : i32
    scf.for %scan3A_84 = %scan3A to %scan3A_52 step %scan3A_53  : i32 {
      %mul3A_85 = arith.constant 1 : i32
      %mul3A_86 = arith.muli %scan3A_84, %mul3A_85 : i32
      %add3A_87 = arith.constant 0 : i32
      %add3A_88 = arith.addi %add3A_87, %mul3A_86 : i32
      %mul3A_89 = arith.constant 5 : i32
      %mul3A_90 = arith.muli %add3A_88, %mul3A_89 : i32
      %add3A_91 = arith.constant 0 : i32
      %add3A_92 = arith.addi %mul3A_90, %add3A_91 : i32
      %dma_wait3A_93 = arith.constant 0 : i32
      %dma_wait3A_94 = arith.constant 0 : i32
      %dma_wait3A_95 = arith.constant 0 : i32
      %dma_wait3A_96 = tpu.memref_slice %arg6[%dma_wait3A_93, %dma_wait3A_94, %dma_wait3A_95] : memref<5x128x128xf32, #tpu.memory_space<vmem>> -> memref<1x128x128xf32, #tpu.memory_space<vmem>>
      %dma_wait3A_97 = tpu.memref_squeeze %dma_wait3A_96 : memref<1x128x128xf32, #tpu.memory_space<vmem>> -> memref<128x128xf32, #tpu.memory_space<vmem>>
      %dma_wait3A_98 = arith.constant 0 : i32
      %dma_wait3A_99 = tpu.memref_slice %arg5[%dma_wait3A_98] : memref<3128xi32, #tpu.memory_space<vmem>> -> memref<128xi32, #tpu.memory_space<vmem>>
      %dma_wait3A_100 = arith.constant 0 : i32
      %dma_wait3A_101 = arith.constant 0 : i32
      %dma_wait3A_102 = tpu.memref_slice %arg2[%dma_wait3A_100, %dma_wait3A_101] : memref<50000x128xf32, #tpu.memory_space<hbm>> -> memref<50000x128xf32, #tpu.memory_space<hbm>>
      tpu.wait_indirect_dma semaphore(%arg7 : memref<!tpu.dma_semaphore, #tpu.memory_space<semaphore_mem>>) src(%dma_wait3A_102 : memref<50000x128xf32, #tpu.memory_space<hbm>>) dst(%dma_wait3A_97 : memref<128x128xf32, #tpu.memory_space<vmem>>)
      %mul3A_103 = arith.constant 128 : i32
      %mul3A_104 = arith.muli %add3A_92, %mul3A_103 : i32
      %add3A_105 = arith.addi %mul3A_2, %mul3A_104 : i32
      %sub3A_106 = arith.constant 128 : i32
      %sub3A_107 = arith.subi %min3A_7, %sub3A_106 : i32
      %min3A_108 = arith.minsi %add3A_105, %sub3A_107 : i32
      %dma_start3A_109 = arith.constant 0 : i32
      %dma_start3A_110 = arith.constant 0 : i32
      %dma_start3A_111 = arith.constant 0 : i32
      %dma_start3A_112 = tpu.memref_slice %arg6[%dma_start3A_109, %dma_start3A_110, %dma_start3A_111] : memref<5x128x128xf32, #tpu.memory_space<vmem>> -> memref<1x128x128xf32, #tpu.memory_space<vmem>>
      %dma_start3A_113 = tpu.memref_squeeze %dma_start3A_112 : memref<1x128x128xf32, #tpu.memory_space<vmem>> -> memref<128x128xf32, #tpu.memory_space<vmem>>
      %dma_start3A_114 = arith.constant 0 : i32
      %dma_start3A_115 = tpu.memref_slice %arg4[%min3A_108, %dma_start3A_114] : memref<100000x128xf32, #tpu.memory_space<hbm>> -> memref<128x128xf32, #tpu.memory_space<hbm>>
      %dma_start3A_116 = arith.constant 0 : i32
      %dma_start3A_117 = tpu.memref_slice %arg4[%min3A_108, %dma_start3A_116] : memref<100000x128xf32, #tpu.memory_space<hbm>> -> memref<128x128xf32, #tpu.memory_space<hbm>>
      %dma_start3A_118 = arith.constant 0 : i32
      %dma_start3A_119 = arith.constant 0 : i32
      %dma_start3A_120 = tpu.memref_slice %arg6[%dma_start3A_109, %dma_start3A_118, %dma_start3A_119] : memref<5x128x128xf32, #tpu.memory_space<vmem>> -> memref<1x128x128xf32, #tpu.memory_space<vmem>>
      %dma_start3A_121 = tpu.memref_squeeze %dma_start3A_120 : memref<1x128x128xf32, #tpu.memory_space<vmem>> -> memref<128x128xf32, #tpu.memory_space<vmem>>
      tpu.enqueue_dma source(%dma_start3A_121 : memref<128x128xf32, #tpu.memory_space<vmem>>) target(%dma_start3A_117 : memref<128x128xf32, #tpu.memory_space<hbm>>) target_semaphore(%arg12 : memref<!tpu.dma_semaphore, #tpu.memory_space<semaphore_mem>>)
      %add3A_122 = arith.constant 3 : i32
      %add3A_123 = arith.addi %add3A_92, %add3A_122 : i32
      %ge3A = arith.constant 5 : i32
      %ge3A_124 = arith.cmpi sge, %add3A_123, %ge3A : i32
      %convert_element_type3A = arith.extui %ge3A_124 : i1 to i32
      %cond3A = arith.constant 0 : i32
      %cond3A_125 = arith.cmpi ne, %convert_element_type3A, %cond3A : i32
      scf.if %cond3A_125 {
        %dma_wait3A_310 = arith.constant 3 : i32
        %dma_wait3A_311 = arith.constant 0 : i32
        %dma_wait3A_312 = arith.constant 0 : i32
        %dma_wait3A_313 = tpu.memref_slice %arg6[%dma_wait3A_310, %dma_wait3A_311, %dma_wait3A_312] : memref<5x128x128xf32, #tpu.memory_space<vmem>> -> memref<1x128x128xf32, #tpu.memory_space<vmem>>
        %dma_wait3A_314 = tpu.memref_squeeze %dma_wait3A_313 : memref<1x128x128xf32, #tpu.memory_space<vmem>> -> memref<128x128xf32, #tpu.memory_space<vmem>>
        %dma_wait3A_315 = arith.constant 0 : i32
        %dma_wait3A_316 = arith.constant 0 : i32
        %dma_wait3A_317 = tpu.memref_slice %arg4[%dma_wait3A_315, %dma_wait3A_316] : memref<100000x128xf32, #tpu.memory_space<hbm>> -> memref<128x128xf32, #tpu.memory_space<hbm>>
        %dma_wait3A_318 = arith.constant 0 : i32
        %dma_wait3A_319 = arith.constant 0 : i32
        %dma_wait3A_320 = tpu.memref_slice %arg4[%dma_wait3A_318, %dma_wait3A_319] : memref<100000x128xf32, #tpu.memory_space<hbm>> -> memref<128x128xf32, #tpu.memory_space<hbm>>
        %dma_wait3A_321 = arith.constant 0 : i32
        %dma_wait3A_322 = arith.constant 0 : i32
        %dma_wait3A_323 = tpu.memref_slice %arg6[%dma_wait3A_310, %dma_wait3A_321, %dma_wait3A_322] : memref<5x128x128xf32, #tpu.memory_space<vmem>> -> memref<1x128x128xf32, #tpu.memory_space<vmem>>
        %dma_wait3A_324 = tpu.memref_squeeze %dma_wait3A_323 : memref<1x128x128xf32, #tpu.memory_space<vmem>> -> memref<128x128xf32, #tpu.memory_space<vmem>>
        tpu.wait_dma2 semaphore(%arg15 : memref<!tpu.dma_semaphore, #tpu.memory_space<semaphore_mem>>) src(%dma_wait3A_324 : memref<128x128xf32, #tpu.memory_space<vmem>>) dst(%dma_wait3A_320 : memref<128x128xf32, #tpu.memory_space<hbm>>)
      } else {
      }
      %lt3A = arith.constant 25 : i32
      %lt3A_126 = arith.cmpi slt, %add3A_123, %lt3A : i32
      %convert_element_type3A_127 = arith.extui %lt3A_126 : i1 to i32
      %cond3A_128 = arith.constant 0 : i32
      %cond3A_129 = arith.cmpi ne, %convert_element_type3A_127, %cond3A_128 : i32
      scf.if %cond3A_129 {
        %mul3A_310 = arith.constant 128 : i32
        %mul3A_311 = arith.muli %add3A_123, %mul3A_310 : i32
        %add3A_312 = arith.addi %mul3A_2, %mul3A_311 : i32
        %sub3A_313 = arith.constant 128 : i32
        %sub3A_314 = arith.subi %min3A_7, %sub3A_313 : i32
        %min3A_315 = arith.minsi %add3A_312, %sub3A_314 : i32
        %sub3A_316 = arith.subi %min3A_315, %min3A_3 : i32
        %dma_start3A_317 = arith.constant 3 : i32
        %dma_start3A_318 = arith.constant 0 : i32
        %dma_start3A_319 = arith.constant 0 : i32
        %dma_start3A_320 = tpu.memref_slice %arg6[%dma_start3A_317, %dma_start3A_318, %dma_start3A_319] : memref<5x128x128xf32, #tpu.memory_space<vmem>> -> memref<1x128x128xf32, #tpu.memory_space<vmem>>
        %dma_start3A_321 = tpu.memref_squeeze %dma_start3A_320 : memref<1x128x128xf32, #tpu.memory_space<vmem>> -> memref<128x128xf32, #tpu.memory_space<vmem>>
        %dma_start3A_322 = tpu.memref_slice %arg5[%sub3A_316] : memref<3128xi32, #tpu.memory_space<vmem>> -> memref<128xi32, #tpu.memory_space<vmem>>
        %dma_start3A_323 = arith.constant 0 : i32
        %dma_start3A_324 = arith.constant 0 : i32
        %dma_start3A_325 = tpu.memref_slice %arg2[%dma_start3A_323, %dma_start3A_324] : memref<50000x128xf32, #tpu.memory_space<hbm>> -> memref<50000x128xf32, #tpu.memory_space<hbm>>
        tpu.enqueue_indirect_dma source(%dma_start3A_325 : memref<50000x128xf32, #tpu.memory_space<hbm>>) target(%dma_start3A_321 : memref<128x128xf32, #tpu.memory_space<vmem>>) offsets(%dma_start3A_322 : memref<128xi32, #tpu.memory_space<vmem>>) semaphore(%arg10 : memref<!tpu.dma_semaphore, #tpu.memory_space<semaphore_mem>>)
      } else {
      }
      %mul3A_130 = arith.constant 5 : i32
      %mul3A_131 = arith.muli %add3A_88, %mul3A_130 : i32
      %add3A_132 = arith.constant 1 : i32
      %add3A_133 = arith.addi %mul3A_131, %add3A_132 : i32
      %dma_wait3A_134 = arith.constant 1 : i32
      %dma_wait3A_135 = arith.constant 0 : i32
      %dma_wait3A_136 = arith.constant 0 : i32
      %dma_wait3A_137 = tpu.memref_slice %arg6[%dma_wait3A_134, %dma_wait3A_135, %dma_wait3A_136] : memref<5x128x128xf32, #tpu.memory_space<vmem>> -> memref<1x128x128xf32, #tpu.memory_space<vmem>>
      %dma_wait3A_138 = tpu.memref_squeeze %dma_wait3A_137 : memref<1x128x128xf32, #tpu.memory_space<vmem>> -> memref<128x128xf32, #tpu.memory_space<vmem>>
      %dma_wait3A_139 = arith.constant 0 : i32
      %dma_wait3A_140 = tpu.memref_slice %arg5[%dma_wait3A_139] : memref<3128xi32, #tpu.memory_space<vmem>> -> memref<128xi32, #tpu.memory_space<vmem>>
      %dma_wait3A_141 = arith.constant 0 : i32
      %dma_wait3A_142 = arith.constant 0 : i32
      %dma_wait3A_143 = tpu.memref_slice %arg2[%dma_wait3A_141, %dma_wait3A_142] : memref<50000x128xf32, #tpu.memory_space<hbm>> -> memref<50000x128xf32, #tpu.memory_space<hbm>>
      tpu.wait_indirect_dma semaphore(%arg8 : memref<!tpu.dma_semaphore, #tpu.memory_space<semaphore_mem>>) src(%dma_wait3A_143 : memref<50000x128xf32, #tpu.memory_space<hbm>>) dst(%dma_wait3A_138 : memref<128x128xf32, #tpu.memory_space<vmem>>)
      %mul3A_144 = arith.constant 128 : i32
      %mul3A_145 = arith.muli %add3A_133, %mul3A_144 : i32
      %add3A_146 = arith.addi %mul3A_2, %mul3A_145 : i32
      %sub3A_147 = arith.constant 128 : i32
      %sub3A_148 = arith.subi %min3A_7, %sub3A_147 : i32
      %min3A_149 = arith.minsi %add3A_146, %sub3A_148 : i32
      %dma_start3A_150 = arith.constant 1 : i32
      %dma_start3A_151 = arith.constant 0 : i32
      %dma_start3A_152 = arith.constant 0 : i32
      %dma_start3A_153 = tpu.memref_slice %arg6[%dma_start3A_150, %dma_start3A_151, %dma_start3A_152] : memref<5x128x128xf32, #tpu.memory_space<vmem>> -> memref<1x128x128xf32, #tpu.memory_space<vmem>>
      %dma_start3A_154 = tpu.memref_squeeze %dma_start3A_153 : memref<1x128x128xf32, #tpu.memory_space<vmem>> -> memref<128x128xf32, #tpu.memory_space<vmem>>
      %dma_start3A_155 = arith.constant 0 : i32
      %dma_start3A_156 = tpu.memref_slice %arg4[%min3A_149, %dma_start3A_155] : memref<100000x128xf32, #tpu.memory_space<hbm>> -> memref<128x128xf32, #tpu.memory_space<hbm>>
      %dma_start3A_157 = arith.constant 0 : i32
      %dma_start3A_158 = tpu.memref_slice %arg4[%min3A_149, %dma_start3A_157] : memref<100000x128xf32, #tpu.memory_space<hbm>> -> memref<128x128xf32, #tpu.memory_space<hbm>>
      %dma_start3A_159 = arith.constant 0 : i32
      %dma_start3A_160 = arith.constant 0 : i32
      %dma_start3A_161 = tpu.memref_slice %arg6[%dma_start3A_150, %dma_start3A_159, %dma_start3A_160] : memref<5x128x128xf32, #tpu.memory_space<vmem>> -> memref<1x128x128xf32, #tpu.memory_space<vmem>>
      %dma_start3A_162 = tpu.memref_squeeze %dma_start3A_161 : memref<1x128x128xf32, #tpu.memory_space<vmem>> -> memref<128x128xf32, #tpu.memory_space<vmem>>
      tpu.enqueue_dma source(%dma_start3A_162 : memref<128x128xf32, #tpu.memory_space<vmem>>) target(%dma_start3A_158 : memref<128x128xf32, #tpu.memory_space<hbm>>) target_semaphore(%arg13 : memref<!tpu.dma_semaphore, #tpu.memory_space<semaphore_mem>>)
      %add3A_163 = arith.constant 3 : i32
      %add3A_164 = arith.addi %add3A_133, %add3A_163 : i32
      %ge3A_165 = arith.constant 5 : i32
      %ge3A_166 = arith.cmpi sge, %add3A_164, %ge3A_165 : i32
      %convert_element_type3A_167 = arith.extui %ge3A_166 : i1 to i32
      %cond3A_168 = arith.constant 0 : i32
      %cond3A_169 = arith.cmpi ne, %convert_element_type3A_167, %cond3A_168 : i32
      scf.if %cond3A_169 {
        %dma_wait3A_310 = arith.constant 4 : i32
        %dma_wait3A_311 = arith.constant 0 : i32
        %dma_wait3A_312 = arith.constant 0 : i32
        %dma_wait3A_313 = tpu.memref_slice %arg6[%dma_wait3A_310, %dma_wait3A_311, %dma_wait3A_312] : memref<5x128x128xf32, #tpu.memory_space<vmem>> -> memref<1x128x128xf32, #tpu.memory_space<vmem>>
        %dma_wait3A_314 = tpu.memref_squeeze %dma_wait3A_313 : memref<1x128x128xf32, #tpu.memory_space<vmem>> -> memref<128x128xf32, #tpu.memory_space<vmem>>
        %dma_wait3A_315 = arith.constant 0 : i32
        %dma_wait3A_316 = arith.constant 0 : i32
        %dma_wait3A_317 = tpu.memref_slice %arg4[%dma_wait3A_315, %dma_wait3A_316] : memref<100000x128xf32, #tpu.memory_space<hbm>> -> memref<128x128xf32, #tpu.memory_space<hbm>>
        %dma_wait3A_318 = arith.constant 0 : i32
        %dma_wait3A_319 = arith.constant 0 : i32
        %dma_wait3A_320 = tpu.memref_slice %arg4[%dma_wait3A_318, %dma_wait3A_319] : memref<100000x128xf32, #tpu.memory_space<hbm>> -> memref<128x128xf32, #tpu.memory_space<hbm>>
        %dma_wait3A_321 = arith.constant 0 : i32
        %dma_wait3A_322 = arith.constant 0 : i32
        %dma_wait3A_323 = tpu.memref_slice %arg6[%dma_wait3A_310, %dma_wait3A_321, %dma_wait3A_322] : memref<5x128x128xf32, #tpu.memory_space<vmem>> -> memref<1x128x128xf32, #tpu.memory_space<vmem>>
        %dma_wait3A_324 = tpu.memref_squeeze %dma_wait3A_323 : memref<1x128x128xf32, #tpu.memory_space<vmem>> -> memref<128x128xf32, #tpu.memory_space<vmem>>
        tpu.wait_dma2 semaphore(%arg16 : memref<!tpu.dma_semaphore, #tpu.memory_space<semaphore_mem>>) src(%dma_wait3A_324 : memref<128x128xf32, #tpu.memory_space<vmem>>) dst(%dma_wait3A_320 : memref<128x128xf32, #tpu.memory_space<hbm>>)
      } else {
      }
      %lt3A_170 = arith.constant 25 : i32
      %lt3A_171 = arith.cmpi slt, %add3A_164, %lt3A_170 : i32
      %convert_element_type3A_172 = arith.extui %lt3A_171 : i1 to i32
      %cond3A_173 = arith.constant 0 : i32
      %cond3A_174 = arith.cmpi ne, %convert_element_type3A_172, %cond3A_173 : i32
      scf.if %cond3A_174 {
        %mul3A_310 = arith.constant 128 : i32
        %mul3A_311 = arith.muli %add3A_164, %mul3A_310 : i32
        %add3A_312 = arith.addi %mul3A_2, %mul3A_311 : i32
        %sub3A_313 = arith.constant 128 : i32
        %sub3A_314 = arith.subi %min3A_7, %sub3A_313 : i32
        %min3A_315 = arith.minsi %add3A_312, %sub3A_314 : i32
        %sub3A_316 = arith.subi %min3A_315, %min3A_3 : i32
        %dma_start3A_317 = arith.constant 4 : i32
        %dma_start3A_318 = arith.constant 0 : i32
        %dma_start3A_319 = arith.constant 0 : i32
        %dma_start3A_320 = tpu.memref_slice %arg6[%dma_start3A_317, %dma_start3A_318, %dma_start3A_319] : memref<5x128x128xf32, #tpu.memory_space<vmem>> -> memref<1x128x128xf32, #tpu.memory_space<vmem>>
        %dma_start3A_321 = tpu.memref_squeeze %dma_start3A_320 : memref<1x128x128xf32, #tpu.memory_space<vmem>> -> memref<128x128xf32, #tpu.memory_space<vmem>>
        %dma_start3A_322 = tpu.memref_slice %arg5[%sub3A_316] : memref<3128xi32, #tpu.memory_space<vmem>> -> memref<128xi32, #tpu.memory_space<vmem>>
        %dma_start3A_323 = arith.constant 0 : i32
        %dma_start3A_324 = arith.constant 0 : i32
        %dma_start3A_325 = tpu.memref_slice %arg2[%dma_start3A_323, %dma_start3A_324] : memref<50000x128xf32, #tpu.memory_space<hbm>> -> memref<50000x128xf32, #tpu.memory_space<hbm>>
        tpu.enqueue_indirect_dma source(%dma_start3A_325 : memref<50000x128xf32, #tpu.memory_space<hbm>>) target(%dma_start3A_321 : memref<128x128xf32, #tpu.memory_space<vmem>>) offsets(%dma_start3A_322 : memref<128xi32, #tpu.memory_space<vmem>>) semaphore(%arg11 : memref<!tpu.dma_semaphore, #tpu.memory_space<semaphore_mem>>)
      } else {
      }
      %mul3A_175 = arith.constant 5 : i32
      %mul3A_176 = arith.muli %add3A_88, %mul3A_175 : i32
      %add3A_177 = arith.constant 2 : i32
      %add3A_178 = arith.addi %mul3A_176, %add3A_177 : i32
      %dma_wait3A_179 = arith.constant 2 : i32
      %dma_wait3A_180 = arith.constant 0 : i32
      %dma_wait3A_181 = arith.constant 0 : i32
      %dma_wait3A_182 = tpu.memref_slice %arg6[%dma_wait3A_179, %dma_wait3A_180, %dma_wait3A_181] : memref<5x128x128xf32, #tpu.memory_space<vmem>> -> memref<1x128x128xf32, #tpu.memory_space<vmem>>
      %dma_wait3A_183 = tpu.memref_squeeze %dma_wait3A_182 : memref<1x128x128xf32, #tpu.memory_space<vmem>> -> memref<128x128xf32, #tpu.memory_space<vmem>>
      %dma_wait3A_184 = arith.constant 0 : i32
      %dma_wait3A_185 = tpu.memref_slice %arg5[%dma_wait3A_184] : memref<3128xi32, #tpu.memory_space<vmem>> -> memref<128xi32, #tpu.memory_space<vmem>>
      %dma_wait3A_186 = arith.constant 0 : i32
      %dma_wait3A_187 = arith.constant 0 : i32
      %dma_wait3A_188 = tpu.memref_slice %arg2[%dma_wait3A_186, %dma_wait3A_187] : memref<50000x128xf32, #tpu.memory_space<hbm>> -> memref<50000x128xf32, #tpu.memory_space<hbm>>
      tpu.wait_indirect_dma semaphore(%arg9 : memref<!tpu.dma_semaphore, #tpu.memory_space<semaphore_mem>>) src(%dma_wait3A_188 : memref<50000x128xf32, #tpu.memory_space<hbm>>) dst(%dma_wait3A_183 : memref<128x128xf32, #tpu.memory_space<vmem>>)
      %mul3A_189 = arith.constant 128 : i32
      %mul3A_190 = arith.muli %add3A_178, %mul3A_189 : i32
      %add3A_191 = arith.addi %mul3A_2, %mul3A_190 : i32
      %sub3A_192 = arith.constant 128 : i32
      %sub3A_193 = arith.subi %min3A_7, %sub3A_192 : i32
      %min3A_194 = arith.minsi %add3A_191, %sub3A_193 : i32
      %dma_start3A_195 = arith.constant 2 : i32
      %dma_start3A_196 = arith.constant 0 : i32
      %dma_start3A_197 = arith.constant 0 : i32
      %dma_start3A_198 = tpu.memref_slice %arg6[%dma_start3A_195, %dma_start3A_196, %dma_start3A_197] : memref<5x128x128xf32, #tpu.memory_space<vmem>> -> memref<1x128x128xf32, #tpu.memory_space<vmem>>
      %dma_start3A_199 = tpu.memref_squeeze %dma_start3A_198 : memref<1x128x128xf32, #tpu.memory_space<vmem>> -> memref<128x128xf32, #tpu.memory_space<vmem>>
      %dma_start3A_200 = arith.constant 0 : i32
      %dma_start3A_201 = tpu.memref_slice %arg4[%min3A_194, %dma_start3A_200] : memref<100000x128xf32, #tpu.memory_space<hbm>> -> memref<128x128xf32, #tpu.memory_space<hbm>>
      %dma_start3A_202 = arith.constant 0 : i32
      %dma_start3A_203 = tpu.memref_slice %arg4[%min3A_194, %dma_start3A_202] : memref<100000x128xf32, #tpu.memory_space<hbm>> -> memref<128x128xf32, #tpu.memory_space<hbm>>
      %dma_start3A_204 = arith.constant 0 : i32
      %dma_start3A_205 = arith.constant 0 : i32
      %dma_start3A_206 = tpu.memref_slice %arg6[%dma_start3A_195, %dma_start3A_204, %dma_start3A_205] : memref<5x128x128xf32, #tpu.memory_space<vmem>> -> memref<1x128x128xf32, #tpu.memory_space<vmem>>
      %dma_start3A_207 = tpu.memref_squeeze %dma_start3A_206 : memref<1x128x128xf32, #tpu.memory_space<vmem>> -> memref<128x128xf32, #tpu.memory_space<vmem>>
      tpu.enqueue_dma source(%dma_start3A_207 : memref<128x128xf32, #tpu.memory_space<vmem>>) target(%dma_start3A_203 : memref<128x128xf32, #tpu.memory_space<hbm>>) target_semaphore(%arg14 : memref<!tpu.dma_semaphore, #tpu.memory_space<semaphore_mem>>)
      %add3A_208 = arith.constant 3 : i32
      %add3A_209 = arith.addi %add3A_178, %add3A_208 : i32
      %ge3A_210 = arith.constant 5 : i32
      %ge3A_211 = arith.cmpi sge, %add3A_209, %ge3A_210 : i32
      %convert_element_type3A_212 = arith.extui %ge3A_211 : i1 to i32
      %cond3A_213 = arith.constant 0 : i32
      %cond3A_214 = arith.cmpi ne, %convert_element_type3A_212, %cond3A_213 : i32
      scf.if %cond3A_214 {
        %dma_wait3A_310 = arith.constant 0 : i32
        %dma_wait3A_311 = arith.constant 0 : i32
        %dma_wait3A_312 = arith.constant 0 : i32
        %dma_wait3A_313 = tpu.memref_slice %arg6[%dma_wait3A_310, %dma_wait3A_311, %dma_wait3A_312] : memref<5x128x128xf32, #tpu.memory_space<vmem>> -> memref<1x128x128xf32, #tpu.memory_space<vmem>>
        %dma_wait3A_314 = tpu.memref_squeeze %dma_wait3A_313 : memref<1x128x128xf32, #tpu.memory_space<vmem>> -> memref<128x128xf32, #tpu.memory_space<vmem>>
        %dma_wait3A_315 = arith.constant 0 : i32
        %dma_wait3A_316 = arith.constant 0 : i32
        %dma_wait3A_317 = tpu.memref_slice %arg4[%dma_wait3A_315, %dma_wait3A_316] : memref<100000x128xf32, #tpu.memory_space<hbm>> -> memref<128x128xf32, #tpu.memory_space<hbm>>
        %dma_wait3A_318 = arith.constant 0 : i32
        %dma_wait3A_319 = arith.constant 0 : i32
        %dma_wait3A_320 = tpu.memref_slice %arg4[%dma_wait3A_318, %dma_wait3A_319] : memref<100000x128xf32, #tpu.memory_space<hbm>> -> memref<128x128xf32, #tpu.memory_space<hbm>>
        %dma_wait3A_321 = arith.constant 0 : i32
        %dma_wait3A_322 = arith.constant 0 : i32
        %dma_wait3A_323 = tpu.memref_slice %arg6[%dma_wait3A_310, %dma_wait3A_321, %dma_wait3A_322] : memref<5x128x128xf32, #tpu.memory_space<vmem>> -> memref<1x128x128xf32, #tpu.memory_space<vmem>>
        %dma_wait3A_324 = tpu.memref_squeeze %dma_wait3A_323 : memref<1x128x128xf32, #tpu.memory_space<vmem>> -> memref<128x128xf32, #tpu.memory_space<vmem>>
        tpu.wait_dma2 semaphore(%arg12 : memref<!tpu.dma_semaphore, #tpu.memory_space<semaphore_mem>>) src(%dma_wait3A_324 : memref<128x128xf32, #tpu.memory_space<vmem>>) dst(%dma_wait3A_320 : memref<128x128xf32, #tpu.memory_space<hbm>>)
      } else {
      }
      %lt3A_215 = arith.constant 25 : i32
      %lt3A_216 = arith.cmpi slt, %add3A_209, %lt3A_215 : i32
      %convert_element_type3A_217 = arith.extui %lt3A_216 : i1 to i32
      %cond3A_218 = arith.constant 0 : i32
      %cond3A_219 = arith.cmpi ne, %convert_element_type3A_217, %cond3A_218 : i32
      scf.if %cond3A_219 {
        %mul3A_310 = arith.constant 128 : i32
        %mul3A_311 = arith.muli %add3A_209, %mul3A_310 : i32
        %add3A_312 = arith.addi %mul3A_2, %mul3A_311 : i32
        %sub3A_313 = arith.constant 128 : i32
        %sub3A_314 = arith.subi %min3A_7, %sub3A_313 : i32
        %min3A_315 = arith.minsi %add3A_312, %sub3A_314 : i32
        %sub3A_316 = arith.subi %min3A_315, %min3A_3 : i32
        %dma_start3A_317 = arith.constant 0 : i32
        %dma_start3A_318 = arith.constant 0 : i32
        %dma_start3A_319 = arith.constant 0 : i32
        %dma_start3A_320 = tpu.memref_slice %arg6[%dma_start3A_317, %dma_start3A_318, %dma_start3A_319] : memref<5x128x128xf32, #tpu.memory_space<vmem>> -> memref<1x128x128xf32, #tpu.memory_space<vmem>>
        %dma_start3A_321 = tpu.memref_squeeze %dma_start3A_320 : memref<1x128x128xf32, #tpu.memory_space<vmem>> -> memref<128x128xf32, #tpu.memory_space<vmem>>
        %dma_start3A_322 = tpu.memref_slice %arg5[%sub3A_316] : memref<3128xi32, #tpu.memory_space<vmem>> -> memref<128xi32, #tpu.memory_space<vmem>>
        %dma_start3A_323 = arith.constant 0 : i32
        %dma_start3A_324 = arith.constant 0 : i32
        %dma_start3A_325 = tpu.memref_slice %arg2[%dma_start3A_323, %dma_start3A_324] : memref<50000x128xf32, #tpu.memory_space<hbm>> -> memref<50000x128xf32, #tpu.memory_space<hbm>>
        tpu.enqueue_indirect_dma source(%dma_start3A_325 : memref<50000x128xf32, #tpu.memory_space<hbm>>) target(%dma_start3A_321 : memref<128x128xf32, #tpu.memory_space<vmem>>) offsets(%dma_start3A_322 : memref<128xi32, #tpu.memory_space<vmem>>) semaphore(%arg7 : memref<!tpu.dma_semaphore, #tpu.memory_space<semaphore_mem>>)
      } else {
      }
      %mul3A_220 = arith.constant 5 : i32
      %mul3A_221 = arith.muli %add3A_88, %mul3A_220 : i32
      %add3A_222 = arith.constant 3 : i32
      %add3A_223 = arith.addi %mul3A_221, %add3A_222 : i32
      %dma_wait3A_224 = arith.constant 3 : i32
      %dma_wait3A_225 = arith.constant 0 : i32
      %dma_wait3A_226 = arith.constant 0 : i32
      %dma_wait3A_227 = tpu.memref_slice %arg6[%dma_wait3A_224, %dma_wait3A_225, %dma_wait3A_226] : memref<5x128x128xf32, #tpu.memory_space<vmem>> -> memref<1x128x128xf32, #tpu.memory_space<vmem>>
      %dma_wait3A_228 = tpu.memref_squeeze %dma_wait3A_227 : memref<1x128x128xf32, #tpu.memory_space<vmem>> -> memref<128x128xf32, #tpu.memory_space<vmem>>
      %dma_wait3A_229 = arith.constant 0 : i32
      %dma_wait3A_230 = tpu.memref_slice %arg5[%dma_wait3A_229] : memref<3128xi32, #tpu.memory_space<vmem>> -> memref<128xi32, #tpu.memory_space<vmem>>
      %dma_wait3A_231 = arith.constant 0 : i32
      %dma_wait3A_232 = arith.constant 0 : i32
      %dma_wait3A_233 = tpu.memref_slice %arg2[%dma_wait3A_231, %dma_wait3A_232] : memref<50000x128xf32, #tpu.memory_space<hbm>> -> memref<50000x128xf32, #tpu.memory_space<hbm>>
      tpu.wait_indirect_dma semaphore(%arg10 : memref<!tpu.dma_semaphore, #tpu.memory_space<semaphore_mem>>) src(%dma_wait3A_233 : memref<50000x128xf32, #tpu.memory_space<hbm>>) dst(%dma_wait3A_228 : memref<128x128xf32, #tpu.memory_space<vmem>>)
      %mul3A_234 = arith.constant 128 : i32
      %mul3A_235 = arith.muli %add3A_223, %mul3A_234 : i32
      %add3A_236 = arith.addi %mul3A_2, %mul3A_235 : i32
      %sub3A_237 = arith.constant 128 : i32
      %sub3A_238 = arith.subi %min3A_7, %sub3A_237 : i32
      %min3A_239 = arith.minsi %add3A_236, %sub3A_238 : i32
      %dma_start3A_240 = arith.constant 3 : i32
      %dma_start3A_241 = arith.constant 0 : i32
      %dma_start3A_242 = arith.constant 0 : i32
      %dma_start3A_243 = tpu.memref_slice %arg6[%dma_start3A_240, %dma_start3A_241, %dma_start3A_242] : memref<5x128x128xf32, #tpu.memory_space<vmem>> -> memref<1x128x128xf32, #tpu.memory_space<vmem>>
      %dma_start3A_244 = tpu.memref_squeeze %dma_start3A_243 : memref<1x128x128xf32, #tpu.memory_space<vmem>> -> memref<128x128xf32, #tpu.memory_space<vmem>>
      %dma_start3A_245 = arith.constant 0 : i32
      %dma_start3A_246 = tpu.memref_slice %arg4[%min3A_239, %dma_start3A_245] : memref<100000x128xf32, #tpu.memory_space<hbm>> -> memref<128x128xf32, #tpu.memory_space<hbm>>
      %dma_start3A_247 = arith.constant 0 : i32
      %dma_start3A_248 = tpu.memref_slice %arg4[%min3A_239, %dma_start3A_247] : memref<100000x128xf32, #tpu.memory_space<hbm>> -> memref<128x128xf32, #tpu.memory_space<hbm>>
      %dma_start3A_249 = arith.constant 0 : i32
      %dma_start3A_250 = arith.constant 0 : i32
      %dma_start3A_251 = tpu.memref_slice %arg6[%dma_start3A_240, %dma_start3A_249, %dma_start3A_250] : memref<5x128x128xf32, #tpu.memory_space<vmem>> -> memref<1x128x128xf32, #tpu.memory_space<vmem>>
      %dma_start3A_252 = tpu.memref_squeeze %dma_start3A_251 : memref<1x128x128xf32, #tpu.memory_space<vmem>> -> memref<128x128xf32, #tpu.memory_space<vmem>>
      tpu.enqueue_dma source(%dma_start3A_252 : memref<128x128xf32, #tpu.memory_space<vmem>>) target(%dma_start3A_248 : memref<128x128xf32, #tpu.memory_space<hbm>>) target_semaphore(%arg15 : memref<!tpu.dma_semaphore, #tpu.memory_space<semaphore_mem>>)
      %add3A_253 = arith.constant 3 : i32
      %add3A_254 = arith.addi %add3A_223, %add3A_253 : i32
      %ge3A_255 = arith.constant 5 : i32
      %ge3A_256 = arith.cmpi sge, %add3A_254, %ge3A_255 : i32
      %convert_element_type3A_257 = arith.extui %ge3A_256 : i1 to i32
      %cond3A_258 = arith.constant 0 : i32
      %cond3A_259 = arith.cmpi ne, %convert_element_type3A_257, %cond3A_258 : i32
      scf.if %cond3A_259 {
        %dma_wait3A_310 = arith.constant 1 : i32
        %dma_wait3A_311 = arith.constant 0 : i32
        %dma_wait3A_312 = arith.constant 0 : i32
        %dma_wait3A_313 = tpu.memref_slice %arg6[%dma_wait3A_310, %dma_wait3A_311, %dma_wait3A_312] : memref<5x128x128xf32, #tpu.memory_space<vmem>> -> memref<1x128x128xf32, #tpu.memory_space<vmem>>
        %dma_wait3A_314 = tpu.memref_squeeze %dma_wait3A_313 : memref<1x128x128xf32, #tpu.memory_space<vmem>> -> memref<128x128xf32, #tpu.memory_space<vmem>>
        %dma_wait3A_315 = arith.constant 0 : i32
        %dma_wait3A_316 = arith.constant 0 : i32
        %dma_wait3A_317 = tpu.memref_slice %arg4[%dma_wait3A_315, %dma_wait3A_316] : memref<100000x128xf32, #tpu.memory_space<hbm>> -> memref<128x128xf32, #tpu.memory_space<hbm>>
        %dma_wait3A_318 = arith.constant 0 : i32
        %dma_wait3A_319 = arith.constant 0 : i32
        %dma_wait3A_320 = tpu.memref_slice %arg4[%dma_wait3A_318, %dma_wait3A_319] : memref<100000x128xf32, #tpu.memory_space<hbm>> -> memref<128x128xf32, #tpu.memory_space<hbm>>
        %dma_wait3A_321 = arith.constant 0 : i32
        %dma_wait3A_322 = arith.constant 0 : i32
        %dma_wait3A_323 = tpu.memref_slice %arg6[%dma_wait3A_310, %dma_wait3A_321, %dma_wait3A_322] : memref<5x128x128xf32, #tpu.memory_space<vmem>> -> memref<1x128x128xf32, #tpu.memory_space<vmem>>
        %dma_wait3A_324 = tpu.memref_squeeze %dma_wait3A_323 : memref<1x128x128xf32, #tpu.memory_space<vmem>> -> memref<128x128xf32, #tpu.memory_space<vmem>>
        tpu.wait_dma2 semaphore(%arg13 : memref<!tpu.dma_semaphore, #tpu.memory_space<semaphore_mem>>) src(%dma_wait3A_324 : memref<128x128xf32, #tpu.memory_space<vmem>>) dst(%dma_wait3A_320 : memref<128x128xf32, #tpu.memory_space<hbm>>)
      } else {
      }
      %lt3A_260 = arith.constant 25 : i32
      %lt3A_261 = arith.cmpi slt, %add3A_254, %lt3A_260 : i32
      %convert_element_type3A_262 = arith.extui %lt3A_261 : i1 to i32
      %cond3A_263 = arith.constant 0 : i32
      %cond3A_264 = arith.cmpi ne, %convert_element_type3A_262, %cond3A_263 : i32
      scf.if %cond3A_264 {
        %mul3A_310 = arith.constant 128 : i32
        %mul3A_311 = arith.muli %add3A_254, %mul3A_310 : i32
        %add3A_312 = arith.addi %mul3A_2, %mul3A_311 : i32
        %sub3A_313 = arith.constant 128 : i32
        %sub3A_314 = arith.subi %min3A_7, %sub3A_313 : i32
        %min3A_315 = arith.minsi %add3A_312, %sub3A_314 : i32
        %sub3A_316 = arith.subi %min3A_315, %min3A_3 : i32
        %dma_start3A_317 = arith.constant 1 : i32
        %dma_start3A_318 = arith.constant 0 : i32
        %dma_start3A_319 = arith.constant 0 : i32
        %dma_start3A_320 = tpu.memref_slice %arg6[%dma_start3A_317, %dma_start3A_318, %dma_start3A_319] : memref<5x128x128xf32, #tpu.memory_space<vmem>> -> memref<1x128x128xf32, #tpu.memory_space<vmem>>
        %dma_start3A_321 = tpu.memref_squeeze %dma_start3A_320 : memref<1x128x128xf32, #tpu.memory_space<vmem>> -> memref<128x128xf32, #tpu.memory_space<vmem>>
        %dma_start3A_322 = tpu.memref_slice %arg5[%sub3A_316] : memref<3128xi32, #tpu.memory_space<vmem>> -> memref<128xi32, #tpu.memory_space<vmem>>
        %dma_start3A_323 = arith.constant 0 : i32
        %dma_start3A_324 = arith.constant 0 : i32
        %dma_start3A_325 = tpu.memref_slice %arg2[%dma_start3A_323, %dma_start3A_324] : memref<50000x128xf32, #tpu.memory_space<hbm>> -> memref<50000x128xf32, #tpu.memory_space<hbm>>
        tpu.enqueue_indirect_dma source(%dma_start3A_325 : memref<50000x128xf32, #tpu.memory_space<hbm>>) target(%dma_start3A_321 : memref<128x128xf32, #tpu.memory_space<vmem>>) offsets(%dma_start3A_322 : memref<128xi32, #tpu.memory_space<vmem>>) semaphore(%arg8 : memref<!tpu.dma_semaphore, #tpu.memory_space<semaphore_mem>>)
      } else {
      }
      %mul3A_265 = arith.constant 5 : i32
      %mul3A_266 = arith.muli %add3A_88, %mul3A_265 : i32
      %add3A_267 = arith.constant 4 : i32
      %add3A_268 = arith.addi %mul3A_266, %add3A_267 : i32
      %dma_wait3A_269 = arith.constant 4 : i32
      %dma_wait3A_270 = arith.constant 0 : i32
      %dma_wait3A_271 = arith.constant 0 : i32
      %dma_wait3A_272 = tpu.memref_slice %arg6[%dma_wait3A_269, %dma_wait3A_270, %dma_wait3A_271] : memref<5x128x128xf32, #tpu.memory_space<vmem>> -> memref<1x128x128xf32, #tpu.memory_space<vmem>>
      %dma_wait3A_273 = tpu.memref_squeeze %dma_wait3A_272 : memref<1x128x128xf32, #tpu.memory_space<vmem>> -> memref<128x128xf32, #tpu.memory_space<vmem>>
      %dma_wait3A_274 = arith.constant 0 : i32
      %dma_wait3A_275 = tpu.memref_slice %arg5[%dma_wait3A_274] : memref<3128xi32, #tpu.memory_space<vmem>> -> memref<128xi32, #tpu.memory_space<vmem>>
      %dma_wait3A_276 = arith.constant 0 : i32
      %dma_wait3A_277 = arith.constant 0 : i32
      %dma_wait3A_278 = tpu.memref_slice %arg2[%dma_wait3A_276, %dma_wait3A_277] : memref<50000x128xf32, #tpu.memory_space<hbm>> -> memref<50000x128xf32, #tpu.memory_space<hbm>>
      tpu.wait_indirect_dma semaphore(%arg11 : memref<!tpu.dma_semaphore, #tpu.memory_space<semaphore_mem>>) src(%dma_wait3A_278 : memref<50000x128xf32, #tpu.memory_space<hbm>>) dst(%dma_wait3A_273 : memref<128x128xf32, #tpu.memory_space<vmem>>)
      %mul3A_279 = arith.constant 128 : i32
      %mul3A_280 = arith.muli %add3A_268, %mul3A_279 : i32
      %add3A_281 = arith.addi %mul3A_2, %mul3A_280 : i32
      %sub3A_282 = arith.constant 128 : i32
      %sub3A_283 = arith.subi %min3A_7, %sub3A_282 : i32
      %min3A_284 = arith.minsi %add3A_281, %sub3A_283 : i32
      %dma_start3A_285 = arith.constant 4 : i32
      %dma_start3A_286 = arith.constant 0 : i32
      %dma_start3A_287 = arith.constant 0 : i32
      %dma_start3A_288 = tpu.memref_slice %arg6[%dma_start3A_285, %dma_start3A_286, %dma_start3A_287] : memref<5x128x128xf32, #tpu.memory_space<vmem>> -> memref<1x128x128xf32, #tpu.memory_space<vmem>>
      %dma_start3A_289 = tpu.memref_squeeze %dma_start3A_288 : memref<1x128x128xf32, #tpu.memory_space<vmem>> -> memref<128x128xf32, #tpu.memory_space<vmem>>
      %dma_start3A_290 = arith.constant 0 : i32
      %dma_start3A_291 = tpu.memref_slice %arg4[%min3A_284, %dma_start3A_290] : memref<100000x128xf32, #tpu.memory_space<hbm>> -> memref<128x128xf32, #tpu.memory_space<hbm>>
      %dma_start3A_292 = arith.constant 0 : i32
      %dma_start3A_293 = tpu.memref_slice %arg4[%min3A_284, %dma_start3A_292] : memref<100000x128xf32, #tpu.memory_space<hbm>> -> memref<128x128xf32, #tpu.memory_space<hbm>>
      %dma_start3A_294 = arith.constant 0 : i32
      %dma_start3A_295 = arith.constant 0 : i32
      %dma_start3A_296 = tpu.memref_slice %arg6[%dma_start3A_285, %dma_start3A_294, %dma_start3A_295] : memref<5x128x128xf32, #tpu.memory_space<vmem>> -> memref<1x128x128xf32, #tpu.memory_space<vmem>>
      %dma_start3A_297 = tpu.memref_squeeze %dma_start3A_296 : memref<1x128x128xf32, #tpu.memory_space<vmem>> -> memref<128x128xf32, #tpu.memory_space<vmem>>
      tpu.enqueue_dma source(%dma_start3A_297 : memref<128x128xf32, #tpu.memory_space<vmem>>) target(%dma_start3A_293 : memref<128x128xf32, #tpu.memory_space<hbm>>) target_semaphore(%arg16 : memref<!tpu.dma_semaphore, #tpu.memory_space<semaphore_mem>>)
      %add3A_298 = arith.constant 3 : i32
      %add3A_299 = arith.addi %add3A_268, %add3A_298 : i32
      %ge3A_300 = arith.constant 5 : i32
      %ge3A_301 = arith.cmpi sge, %add3A_299, %ge3A_300 : i32
      %convert_element_type3A_302 = arith.extui %ge3A_301 : i1 to i32
      %cond3A_303 = arith.constant 0 : i32
      %cond3A_304 = arith.cmpi ne, %convert_element_type3A_302, %cond3A_303 : i32
      scf.if %cond3A_304 {
        %dma_wait3A_310 = arith.constant 2 : i32
        %dma_wait3A_311 = arith.constant 0 : i32
        %dma_wait3A_312 = arith.constant 0 : i32
        %dma_wait3A_313 = tpu.memref_slice %arg6[%dma_wait3A_310, %dma_wait3A_311, %dma_wait3A_312] : memref<5x128x128xf32, #tpu.memory_space<vmem>> -> memref<1x128x128xf32, #tpu.memory_space<vmem>>
        %dma_wait3A_314 = tpu.memref_squeeze %dma_wait3A_313 : memref<1x128x128xf32, #tpu.memory_space<vmem>> -> memref<128x128xf32, #tpu.memory_space<vmem>>
        %dma_wait3A_315 = arith.constant 0 : i32
        %dma_wait3A_316 = arith.constant 0 : i32
        %dma_wait3A_317 = tpu.memref_slice %arg4[%dma_wait3A_315, %dma_wait3A_316] : memref<100000x128xf32, #tpu.memory_space<hbm>> -> memref<128x128xf32, #tpu.memory_space<hbm>>
        %dma_wait3A_318 = arith.constant 0 : i32
        %dma_wait3A_319 = arith.constant 0 : i32
        %dma_wait3A_320 = tpu.memref_slice %arg4[%dma_wait3A_318, %dma_wait3A_319] : memref<100000x128xf32, #tpu.memory_space<hbm>> -> memref<128x128xf32, #tpu.memory_space<hbm>>
        %dma_wait3A_321 = arith.constant 0 : i32
        %dma_wait3A_322 = arith.constant 0 : i32
        %dma_wait3A_323 = tpu.memref_slice %arg6[%dma_wait3A_310, %dma_wait3A_321, %dma_wait3A_322] : memref<5x128x128xf32, #tpu.memory_space<vmem>> -> memref<1x128x128xf32, #tpu.memory_space<vmem>>
        %dma_wait3A_324 = tpu.memref_squeeze %dma_wait3A_323 : memref<1x128x128xf32, #tpu.memory_space<vmem>> -> memref<128x128xf32, #tpu.memory_space<vmem>>
        tpu.wait_dma2 semaphore(%arg14 : memref<!tpu.dma_semaphore, #tpu.memory_space<semaphore_mem>>) src(%dma_wait3A_324 : memref<128x128xf32, #tpu.memory_space<vmem>>) dst(%dma_wait3A_320 : memref<128x128xf32, #tpu.memory_space<hbm>>)
      } else {
      }
      %lt3A_305 = arith.constant 25 : i32
      %lt3A_306 = arith.cmpi slt, %add3A_299, %lt3A_305 : i32
      %convert_element_type3A_307 = arith.extui %lt3A_306 : i1 to i32
      %cond3A_308 = arith.constant 0 : i32
      %cond3A_309 = arith.cmpi ne, %convert_element_type3A_307, %cond3A_308 : i32
      scf.if %cond3A_309 {
        %mul3A_310 = arith.constant 128 : i32
        %mul3A_311 = arith.muli %add3A_299, %mul3A_310 : i32
        %add3A_312 = arith.addi %mul3A_2, %mul3A_311 : i32
        %sub3A_313 = arith.constant 128 : i32
        %sub3A_314 = arith.subi %min3A_7, %sub3A_313 : i32
        %min3A_315 = arith.minsi %add3A_312, %sub3A_314 : i32
        %sub3A_316 = arith.subi %min3A_315, %min3A_3 : i32
        %dma_start3A_317 = arith.constant 2 : i32
        %dma_start3A_318 = arith.constant 0 : i32
        %dma_start3A_319 = arith.constant 0 : i32
        %dma_start3A_320 = tpu.memref_slice %arg6[%dma_start3A_317, %dma_start3A_318, %dma_start3A_319] : memref<5x128x128xf32, #tpu.memory_space<vmem>> -> memref<1x128x128xf32, #tpu.memory_space<vmem>>
        %dma_start3A_321 = tpu.memref_squeeze %dma_start3A_320 : memref<1x128x128xf32, #tpu.memory_space<vmem>> -> memref<128x128xf32, #tpu.memory_space<vmem>>
        %dma_start3A_322 = tpu.memref_slice %arg5[%sub3A_316] : memref<3128xi32, #tpu.memory_space<vmem>> -> memref<128xi32, #tpu.memory_space<vmem>>
        %dma_start3A_323 = arith.constant 0 : i32
        %dma_start3A_324 = arith.constant 0 : i32
        %dma_start3A_325 = tpu.memref_slice %arg2[%dma_start3A_323, %dma_start3A_324] : memref<50000x128xf32, #tpu.memory_space<hbm>> -> memref<50000x128xf32, #tpu.memory_space<hbm>>
        tpu.enqueue_indirect_dma source(%dma_start3A_325 : memref<50000x128xf32, #tpu.memory_space<hbm>>) target(%dma_start3A_321 : memref<128x128xf32, #tpu.memory_space<vmem>>) offsets(%dma_start3A_322 : memref<128xi32, #tpu.memory_space<vmem>>) semaphore(%arg9 : memref<!tpu.dma_semaphore, #tpu.memory_space<semaphore_mem>>)
      } else {
      }
    }
    %scan3A_54 = arith.constant 5 : i32
    %dma_wait3A = arith.constant 3 : i32
    %dma_wait3A_55 = arith.constant 0 : i32
    %dma_wait3A_56 = arith.constant 0 : i32
    %dma_wait3A_57 = tpu.memref_slice %arg6[%dma_wait3A, %dma_wait3A_55, %dma_wait3A_56] : memref<5x128x128xf32, #tpu.memory_space<vmem>> -> memref<1x128x128xf32, #tpu.memory_space<vmem>>
    %dma_wait3A_58 = tpu.memref_squeeze %dma_wait3A_57 : memref<1x128x128xf32, #tpu.memory_space<vmem>> -> memref<128x128xf32, #tpu.memory_space<vmem>>
    %dma_wait3A_59 = arith.constant 0 : i32
    %dma_wait3A_60 = arith.constant 0 : i32
    %dma_wait3A_61 = tpu.memref_slice %arg4[%dma_wait3A_59, %dma_wait3A_60] : memref<100000x128xf32, #tpu.memory_space<hbm>> -> memref<128x128xf32, #tpu.memory_space<hbm>>
    %dma_wait3A_62 = arith.constant 0 : i32
    %dma_wait3A_63 = arith.constant 0 : i32
    %dma_wait3A_64 = tpu.memref_slice %arg4[%dma_wait3A_62, %dma_wait3A_63] : memref<100000x128xf32, #tpu.memory_space<hbm>> -> memref<128x128xf32, #tpu.memory_space<hbm>>
    %dma_wait3A_65 = arith.constant 0 : i32
    %dma_wait3A_66 = arith.constant 0 : i32
    %dma_wait3A_67 = tpu.memref_slice %arg6[%dma_wait3A, %dma_wait3A_65, %dma_wait3A_66] : memref<5x128x128xf32, #tpu.memory_space<vmem>> -> memref<1x128x128xf32, #tpu.memory_space<vmem>>
    %dma_wait3A_68 = tpu.memref_squeeze %dma_wait3A_67 : memref<1x128x128xf32, #tpu.memory_space<vmem>> -> memref<128x128xf32, #tpu.memory_space<vmem>>
    tpu.wait_dma2 semaphore(%arg15 : memref<!tpu.dma_semaphore, #tpu.memory_space<semaphore_mem>>) src(%dma_wait3A_68 : memref<128x128xf32, #tpu.memory_space<vmem>>) dst(%dma_wait3A_64 : memref<128x128xf32, #tpu.memory_space<hbm>>)
    %dma_wait3A_69 = arith.constant 4 : i32
    %dma_wait3A_70 = arith.constant 0 : i32
    %dma_wait3A_71 = arith.constant 0 : i32
    %dma_wait3A_72 = tpu.memref_slice %arg6[%dma_wait3A_69, %dma_wait3A_70, %dma_wait3A_71] : memref<5x128x128xf32, #tpu.memory_space<vmem>> -> memref<1x128x128xf32, #tpu.memory_space<vmem>>
    %dma_wait3A_73 = tpu.memref_squeeze %dma_wait3A_72 : memref<1x128x128xf32, #tpu.memory_space<vmem>> -> memref<128x128xf32, #tpu.memory_space<vmem>>
    %dma_wait3A_74 = arith.constant 0 : i32
    %dma_wait3A_75 = arith.constant 0 : i32
    %dma_wait3A_76 = tpu.memref_slice %arg4[%dma_wait3A_74, %dma_wait3A_75] : memref<100000x128xf32, #tpu.memory_space<hbm>> -> memref<128x128xf32, #tpu.memory_space<hbm>>
    %dma_wait3A_77 = arith.constant 0 : i32
    %dma_wait3A_78 = arith.constant 0 : i32
    %dma_wait3A_79 = tpu.memref_slice %arg4[%dma_wait3A_77, %dma_wait3A_78] : memref<100000x128xf32, #tpu.memory_space<hbm>> -> memref<128x128xf32, #tpu.memory_space<hbm>>
    %dma_wait3A_80 = arith.constant 0 : i32
    %dma_wait3A_81 = arith.constant 0 : i32
    %dma_wait3A_82 = tpu.memref_slice %arg6[%dma_wait3A_69, %dma_wait3A_80, %dma_wait3A_81] : memref<5x128x128xf32, #tpu.memory_space<vmem>> -> memref<1x128x128xf32, #tpu.memory_space<vmem>>
    %dma_wait3A_83 = tpu.memref_squeeze %dma_wait3A_82 : memref<1x128x128xf32, #tpu.memory_space<vmem>> -> memref<128x128xf32, #tpu.memory_space<vmem>>
    tpu.wait_dma2 semaphore(%arg16 : memref<!tpu.dma_semaphore, #tpu.memory_space<semaphore_mem>>) src(%dma_wait3A_83 : memref<128x128xf32, #tpu.memory_space<vmem>>) dst(%dma_wait3A_79 : memref<128x128xf32, #tpu.memory_space<hbm>>)
    return
  }
}

</mosaic_0001>

<sc_bundles>
// kernel: kernel.3.cloned.1.call-start
scs
__scs_entry_jumppad:
0x0: {  	(pc) =	sbr.rel $0x88, $3  }
0x1: {  	(tag) =	ssettag $0x0;
	lr =	simm.s32 $0x1  }
0x2: {  	[smem:$0x3F9F] =	sst lr;
	_ =	strace $0xD0000000  }
0x3: {  	_ = 	snop  }
0x4: {  	_ = 	snop  }
0x5: {  	_ = 	snop  }
0x6: {  	_ = 	snop  }
0x7: {  	_ = 	snop  }
__scs_overlays_trampoline_lowered:
0x8: {  	[smem:$0x3FAE] =	sst s0  }
0x9: {  	[smem:$0x3FAF] =	sst s1  }
0xa: {  	[smem:$0x3FB0] =	sst s2  }
0xb: {  	[smem:$0x3FB1] =	sst s3  }
0xc: {  	[smem:$0x3FB2] =	sst s4  }
0xd: {  	[smem:$0x3FB3] =	sst s5  }
0xe: {  	[smem:$0x3FB4] =	sst s6  }
0xf: {  	[smem:$0x3FB5] =	sst s7  }
0x10: {  	[smem:$0x3FB6] =	sst s8  }
0x11: {  	[smem:$0x3FB7] =	sst s9;
	s0 =	simm.s32 @!p0 $0x0  }
0x12: {  	s1 =	sld [smem:$0x3F9D];
	s0 =	simm.s32 @p0 $0x1  }
0x13: {  	[smem:$0x3FB8] =	sst s0;
	s0 =	simm.s32 @!p1 $0x0  }
0x14: {  	s2 =	sld [smem:$0x3F9C];
	s0 =	simm.s32 @p1 $0x1  }
0x15: {  	[smem:$0x3FB9] =	sst s0;
	s0 =	simm.s32 @!p2 $0x0  }
0x16: {  	s3 =	sld [smem:$0x3FDB];
	s0 =	simm.s32 @p2 $0x1  }
0x17: {  	s4 =	simm.s32 $0x1BF5;
	[smem:$0x3FBB] =	sst s0  }
0x18: {  	s0 =	sld [smem:$0x3F9E];
	_ =	swait.ge [sflag:s4], $0x0  }
0x19: {  	s7 =	sld [smem:$0x3F9F]  }
0x1a: {  	s8 =	sadd.s32 $0xFFFFE003, lr  }
0x1b: {  	s9 =	sadd.s32 $0xFFFFFEF7, lr;
	s5 =	simm.s32 $0xFFFFFFFF;
	p2 =	slt.u32 s8, $0xFFFFF086  }
0x1c: {  	p1 =	slt.u32 s9, $0xF7A;
	s5 =	simm.s32 @!p2 $0x0  }
0x1d: {  	s5 =	simm.s32 @p1 $0x1;
	p0 =	seq.s32 s7, s2  }
0x1e: {  	s7 =	smul.u32 @!p0 $0xF7A, s2;
	p2 =	seq.s32 @!p0 s5, $0x0  }
0x1f: {  	s9 =	smul.u32 $0xF7A, s1;
	s8 =	simm.s32 @!p0 $0x1BF5;
	p2 =	por !p2, p0  }
0x20: {  	[sflag:s8] =	ssyncset.s32 @!p0 $0xFFFFF086;
	s6 =	sadd.s32 @!p0 s3, s7;
	s7 =	simm.s32 @!p0 $0x108  }
0x21: {  	s3 =	sadd.s32 s3, s9;
	s6 =	sadd.s32 @!p0 $0x88, s6;
	s7 =	simm.s32 @p2 $0x1082  }
0x22: {  	[simem:s7], [sflag:s8] =	dma.local @!p0 [hbm:s6], $0xF7A  }
0x23: {  	s9 =	sor.u32 $0xD0000000, s2;
	s6 =	simm.s32 $0x108;
	_ =	swait.ge @!p0 [sflag:s8], $0x0  }
0x24: {  	s3 =	sadd.s32 $0x88, s3;
	s6 =	simm.s32 @!p1 $0x1082;
	[sflag:s4] =	ssyncset.s32 $0xFFFFF086  }
0x25: {  	[simem:s6], [sflag:s4] =	dma.local [hbm:s3], $0xF7A  }
0x26: {  	[smem:$0x3F9F] =	sst s1;
	(tag) =	ssettag s2;
	_ =	strace s9  }
0x27: {  	s1 =	sld [smem:$0x3FAF]  }
0x28: {  	s2 =	sld [smem:$0x3FB0]  }
0x29: {  	s4 =	sld [smem:$0x3FB2]  }
0x2a: {  	p0 =	seq.s32 s5, $0x0;
	s5 =	sld [smem:$0x3FB3]  }
0x2b: {  	s6 =	sld [smem:$0x3FB4]  }
0x2c: {  	s7 =	sld [smem:$0x3FB5]  }
0x2d: {  	s3 =	simm.s32 $0x108;
	s8 =	sld [smem:$0x3FB6]  }
0x2e: {  	s3 =	simm.s32 @!p0 $0x1082;
	s9 =	sld [smem:$0x3FB7]  }
0x2f: {  	lr =	sadd.s32 s0, s3;
	s0 =	sld [smem:$0x3FAE]  }
0x30: {  	s3 =	sld [smem:$0x3FB1]  }
0x31: {  	[smem:$0x3FBA] =	sst s10  }
0x32: {  	s10 =	sld [smem:$0x3FB8];
	_ =	sdelay $0x3  }
0x33: {  	p0 =	seq.s32 s10, $0x1;
	s10 =	sld [smem:$0x3FBA];
	_ =	sdelay $0x3  }
0x34: {  	[smem:$0x3FBA] =	sst s10  }
0x35: {  	s10 =	sld [smem:$0x3FB9];
	_ =	sdelay $0x3  }
0x36: {  	p1 =	seq.s32 s10, $0x1;
	s10 =	sld [smem:$0x3FBA];
	_ =	sdelay $0x3  }
0x37: {  	[smem:$0x3FBA] =	sst s10  }
0x38: {  	s10 =	sld [smem:$0x3FBB]  }
0x39: {  	_ = 	snop;
	(pc) =	sbr.ind lr, $3  }
0x3a: {  	_ = 	snop  }
0x3b: {  	_ = 	snop  }
0x3c: {  	p2 =	seq.s32 s10, $0x1;
	s10 =	sld [smem:$0x3FBA]  }
0x3d: {  	_ =	shalt  }
0x3e: {  	_ =	shalt  }
0x3f: {  	_ =	shalt  }
0x40: {  	_ =	shalt  }
0x41: {  	_ =	shalt  }
0x42: {  	_ =	shalt  }
0x43: {  	_ =	shalt  }
0x44: {  	_ =	shalt  }
0x45: {  	_ =	shalt  }
0x46: {  	_ =	shalt  }
0x47: {  	_ =	shalt  }
0x48: {  	_ =	shalt  }
0x49: {  	_ =	shalt  }
0x4a: {  	_ =	shalt  }
0x4b: {  	_ =	shalt  }
0x4c: {  	_ =	shalt  }
0x4d: {  	_ =	shalt  }
0x4e: {  	_ =	shalt  }
0x4f: {  	_ =	shalt  }
0x50: {  	_ =	shalt  }
0x51: {  	_ =	shalt  }
0x52: {  	_ =	shalt  }
0x53: {  	_ =	shalt  }
0x54: {  	_ =	shalt  }
0x55: {  	_ =	shalt  }
0x56: {  	_ =	shalt  }
0x57: {  	_ =	shalt  }
0x58: {  	_ =	shalt  }
0x59: {  	_ =	shalt  }
0x5a: {  	_ =	shalt  }
0x5b: {  	_ =	shalt  }
0x5c: {  	_ =	shalt  }
0x5d: {  	_ =	shalt  }
0x5e: {  	_ =	shalt  }
0x5f: {  	_ =	shalt  }
0x60: {  	_ =	shalt  }
0x61: {  	_ =	shalt  }
0x62: {  	_ =	shalt  }
0x63: {  	_ =	shalt  }
0x64: {  	_ =	shalt  }
0x65: {  	_ =	shalt  }
0x66: {  	_ =	shalt  }
0x67: {  	_ =	shalt  }
0x68: {  	_ =	shalt  }
0x69: {  	_ =	shalt  }
0x6a: {  	_ =	shalt  }
0x6b: {  	_ =	shalt  }
0x6c: {  	_ =	shalt  }
0x6d: {  	_ =	shalt  }
0x6e: {  	_ =	shalt  }
0x6f: {  	_ =	shalt  }
0x70: {  	_ =	shalt  }
0x71: {  	_ =	shalt  }
0x72: {  	_ =	shalt  }
0x73: {  	_ =	shalt  }
0x74: {  	_ =	shalt  }
0x75: {  	_ =	shalt  }
0x76: {  	_ =	shalt  }
0x77: {  	_ =	shalt  }
0x78: {  	_ =	shalt  }
0x79: {  	_ =	shalt  }
0x7a: {  	_ =	shalt  }
0x7b: {  	_ =	shalt  }
0x7c: {  	_ =	shalt  }
0x7d: {  	_ =	shalt  }
0x7e: {  	_ =	shalt  }
0x7f: {  	_ =	shalt  }
0x80: {  	_ =	shalt  }
0x81: {  	_ =	shalt  }
0x82: {  	_ =	shalt  }
0x83: {  	_ =	shalt  }
0x84: {  	_ =	shalt  }
0x85: {  	_ =	shalt  }
0x86: {  	_ =	shalt  }
0x87: {  	_ =	shalt  }
.Lfunc_end0:
.L_simem_size_0:
called_computation_lowered:
.L_overlay_start_0:
0x88: {  	s2 =	sld [smem:$0x3FD9]  }
0x89: {  	s3 =	sld [smem:$0x3FFE];
	_ =	sdelay $0x1  }
0x8a: {  	s1 =	srdreg.scid  }
0x8b: {  	s0 =	sand.u32 $0x1, s1  }
0x8c: {  	s17 =	sshll.u32 s0, $0xA;
	s2 =	sadd.s32 s3, s2  }
0x8d: {  	s2 =	sadd.s32 s2, s17  }
0x8e: {  	[smem:$0x3FC6] =	sst s2  }
0x8f: {  	_ = 	snop  }
0x90: {  	s2 =	sld [smem:$0x3FC9]  }
0x91: {  	s18 =	sld [smem:$0x3FD0];
	(tm) =	ssettm $0x1  }
0x92: {  	s4 =	sld [smem:$0x3FFB];
	_ =	sdelay $0x3  }
0x93: {  	_ =	strace s4  }
0x94: {  	s4 =	sld [smem:$0x3FFC];
	_ =	sdelay $0x3  }
0x95: {  	_ =	strace s4  }
0x96: {  	s4 =	sld [smem:$0x3FFD];
	_ =	sdelay $0x3  }
0x97: {  	_ =	strace s4  }
0x98: {  	_ =	strace $0x8FFFFFFF  }
0x99: {  	s19 =	sld [smem:$0x3FDB];
	_ =	sdelay $0x1  }
0x9a: {  	s5 =	simm.s32 $_scs_section_size  }
0x9b: {  	s6 =	simm.s32 $_size__tile_overlayer_lowered;
	s7 =	simm.s32 $_tile_overlayer_lowered  }
0x9c: {  	s22 =	simm.s32 $0x1BFF;
	s21 =	sshll.u32 s7, $0x1;
	s4 =	sadd.s32 s5, s19  }
0x9d: {  	s8 =	simm.s32 $0x0;
	s20 =	sshll.u32 s6, $0x1;
	s6 =	sadd.s32 s21, s4  }
0x9e: {  	[timem:s8], [sflag:s22] =	dma.local [hbm:s6], s20  }
0x9f: {  	_ =	swait.ge [sflag:s22], s20  }
0xa0: {  	s5 =	ssub.s32 $0x0, s20;
	[sflag:s22] =	ssyncset.done $0x0  }
0xa1: {  	[sflag:s22] =	ssyncadd.s32 s5;
	_ =	sdelay $0x1  }
0xa2: {  	s23 =	simm.s32 $0x1B8B  }
0xa3: {  	_ =	swait.ge [sflag:s23], $0x1  }
0xa4: {  	[sflag:s23] =	ssyncset.done $0x0  }
0xa5: {  	s25 =	simm.s32 $0x1B8E;
	s24 =	sld [smem:$0x3FFE];
	[sflag:s23] =	ssyncadd.s32 $0xFFFFFFFF  }
0xa6: {  	s26 =	simm.s32 $execute0_lowered;
	[smem:$0x3FD2] =	sst s25  }
0xa7: {  	s6 =	sshll.u32 s26, $0x1;
	_ =	strace $0x80000046;
	[dreg:$0x1] =	wrdreg $0xFFFFFFFF  }
0xa8: {  	s28 =	simm.s32 $_size_execute0_lowered;
	s4 =	sadd.s32 s4, s6;
	[dreg:$0x0] =	wrdreg $0x0  }
0xa9: {  	s6 =	sshll.u32 s28, $0x1;
	[dreg:$0x2] =	wrdreg s4  }
0xaa: {  	[dreg:$0x3] =	wrdreg s6  }
0xab: {  	[dreg:$0x4] =	wrdreg $0xC0  }
0xac: {  	_ =	task [dreg:s8], $0x5FFFF  }
0xad: {  	[dreg:$0x1] =	wrdreg $0xFFFFFFFF  }
0xae: {  	[dreg:$0x0] =	wrdreg $0x60  }
0xaf: {  	[dreg:$0x2] =	wrdreg s2  }
0xb0: {  	[dreg:$0x3] =	wrdreg s24  }
0xb1: {  	[dreg:$0x4] =	wrdreg s18  }
0xb2: {  	[dreg:$0x5] =	wrdreg $0x9  }
0xb3: {  	_ =	task.clear_ibuf [dreg:s8], $0x6FFFF;
	_ =	strace $0x90000046  }
0xb4: {  	s29 =	simm.s32 $0x9;
	_ =	strace $0x80000048  }
0xb5: {  	_ =	swait.ge [sflag:s29], $0x1  }
0xb6: {  	[sflag:s29] =	ssyncadd.s32 $0xFFFFFFFF  }
0xb7: {  	_ =	strace $0x90000048  }
0xb8: {  	_ =	sfence  }
0xb9: {  	s30 =	sld [smem:$0x0];
	_ =	sdelay $0x2  }
0xba: {  	s31 =	sshll.u32 s1, $0xD;
	s1 =	sshrl.u32 s1, $0x2  }
0xbb: {  	s3 =	sand.u32 $0x4000, s31;
	s1 =	sadd.s32 s1, s30  }
0xbc: {  	s0 =	sor.u32 s3, s0;
	s1 =	sshll.u32 s1, $0x11  }
0xbd: {  	s0 =	sor.u32 s1, s0  }
0xbe: {  	s0 =	sadd.s32 $0x8F2B, s0  }
0xbf: {  	[sflag:s0] =	ssyncadd.remote.s32 $0x1  }
0xc0: {  	_ =	sfence.sel $0xFFFF  }
0xc1: {  	[dreg:$0x0] =	wrdreg $0xFFFFFFFF;
	(pc) =	sbr.abs _section_cstart, $3  }
0xc2: {  	[dreg:$0x1] =	wrdreg $0xFFFFFFFF  }
0xc3: {  	_ =	task.clear_ibuf [dreg:s8], $0x2FFFF;
	_ =	strace $0x9FFFFFFF  }
0xc4: {  	(tm) =	ssettm $0x7FFFFFFF  }
0xc5: {  	_ =	shalt  }
tec
execute0_lowered:
.L_overlay_start_1:
0x0: {  	(tag) =	ssettag $0x1  }
0x1: {  	s1 =	rddreg [dreg:$0x0]  }
0x2: {  	s0 =	srdreg.scid;
	s6 =	rddreg [dreg:$0x1]  }
0x3: {  	s10 =	stileid.u32;
	s3 =	rddreg [dreg:$0x2];
	s4 =	simm.s32 $0x0  }
0x4: {  	s14 =	simm.s32 $0x80;
	s15 =	simm.s32 $0xC80;
	s16 =	simm.s32 $0x4C80  }
0x5: {  	s17 =	simm.s32 $0x8C80;
	s18 =	simm.s32 $0x1;
	s19 =	simm.s32 $0xCC80  }
0x6: {  	s20 =	simm.s32 $0x2;
	s21 =	simm.s32 $0x10C80;
	s28 =	simm.s32 $0x8  }
0x7: {  	s29 =	simm.s32 $0x9;
	s0 =	sand.u32 $0x1, s0;
	s2 =	sshll.u32 s10, $0x1  }
0x8: {  	s30 =	simm.s32 $0xA;
	s12 =	smul.u32 $0x1870, s10;
	s2 =	sor.u32 s0, s2  }
0x9: {  	s31 =	simm.s32 $0x0;
	s7 =	ssub.s32 $0x2, s0;
	s2 =	smul.u32 $0xC38, s2  }
0xa: {  	[smem:$0x7FF] =	sst s4;
	s0 =	smul.u32 $0xC38, s0;
	s8 =	sshrl.u32 s7, $0x1  }
0xb: {  	_ =	strace $0x80000047;
	s11 =	ssub.s32 s7, s8;
	s5 =	smin.u32 s2, $0x17A68  }
0xc: {  	s12 =	sadd.s32 s0, s12;
	s26 =	smax.u32 s11, $0x1;
	s9 =	sshrl.u32 s5, $0x3  }
0xd: {  	s23 =	sadd.s32 $0x80, s2;
	[dreg:$0x8] =	wrdreg s26;
	s6 =	sadd.s32 s6, s9  }
0xe: {  	s26 =	simm.s32 $0x5;
	[dreg:$0x4] =	wrdreg s6;
	s6 =	sadd.s32 $0xBB8, s5  }
.Ltmp0:
0xf: {  	s22 =	smin.u32 s2, s6;
	s9 =	smin.u32 s23, s6;
	(pc) =	sbr.rel .LBB2_1-.Ltmp0, $4  }
0x10: {  	s2 =	sadd.s32 $0x100, s2;
	s23 =	simm.s32 $0x6;
	s24 =	ssub.s32 s22, s5  }
0x11: {  	s25 =	ssub.s32 s9, s5;
	s2 =	smin.u32 s2, s6;
	[dreg:$0x5] =	wrdreg s24  }
0x12: {  	s22 =	simm.s32 $0x3;
	[dreg:$0x6] =	wrdreg s25;
	s2 =	ssub.s32 s2, s5  }
0x13: {  	s24 =	simm.s32 $0x4;
	s25 =	simm.s32 $0x7;
	[dreg:$0x7] =	wrdreg s2  }
.LBB2_4:
0x14: {  	_ =	swait.ge [sflag:s29], $0x4000  }
0x15: {  	[sflag:s29] =	ssyncset.done $0x0  }
0x16: {  	[sflag:s29] =	ssyncadd.s32 $0xFFFFC000  }
0x17: {  	_ =	swait.ge [sflag:s30], $0x4000  }
0x18: {  	s31 =	sadd.s32 $0x1, s31;
	s0 =	rddreg [dreg:$0x8]  }
0x19: {  	p0 =	sne.s32 s31, s0  }
.Ltmp1:
0x1a: {  	_ = 	snop;
	(pc) =	sbr.rel @!p0 .LBB2_5-.Ltmp1, $3  }
0x1b: {  	_ =	sdelay $0x1  }
0x1c: {  	[sflag:s30] =	ssyncset.done $0x0  }
0x1d: {  	[sflag:s30] =	ssyncadd.s32 $0xFFFFC000  }
.LBB2_1:
0x1e: {  	s0 =	rddreg [dreg:$0x4];
	s9 =	simm.s32 $0xB  }
0x1f: {  	[tilespmem:s4], [sflag:$0xB] =	stream.linear.gather [hbm4b:s0+s4], $0xC38, $0x38;
	[tilespmem:$0x14C80] =	vst v63  }
0x20: {  	_ =	swait.ge [sflag:s9], $0xC38  }
0x21: {  	[sflag:s9] =	ssyncset.done $0x0  }
0x22: {  	s10 =	rddreg [dreg:$0x5];
	[sflag:s9] =	ssyncadd.s32 $0xFFFFF3C8  }
0x23: {  	[tilespmem:s15], [sflag:$0x1] =	stream.indirect.gather [hbm4b:s1+s14], $0x80, s10, s14, $0xb8;
	[tilespmem:$0x14C80] =	vst v63  }
0x24: {  	s11 =	rddreg [dreg:$0x6]  }
0x25: {  	[tilespmem:s16], [sflag:$0x2] =	stream.indirect.gather [hbm4b:s1+s14], $0x80, s11, s14, $0xb8;
	[tilespmem:$0x14C80] =	vst v63  }
0x26: {  	s2 =	simm.s32 $0x0;
	s13 =	rddreg [dreg:$0x7]  }
0x27: {  	[tilespmem:s17], [sflag:$0x3] =	stream.indirect.gather [hbm4b:s1+s14], $0x80, s13, s14, $0xb8;
	[tilespmem:$0x14C80] =	vst v63  }
.LBB2_2:
0x28: {  	s0 =	sadd.s32 s2, s12  }
0x29: {  	s7 =	smov.u32 s6;
	p0 =	slt.s32 s0, s6  }
0x2a: {  	_ =	swait.ge [sflag:s18], $0x4000;
	s7 =	smov.u32 @p0 s0  }
0x2b: {  	[sflag:s18] =	ssyncset.done $0x0;
	s7 =	sshll.u32 s7, $0x4  }
0x2c: {  	[sflag:s18] =	ssyncadd.s32 $0xFFFFC000;
	p0 =	seq.s32 s2, $0x0;
	s7 =	sadd.s32 s3, s7  }
0x2d: {  	[hbm4b:s7+s4] =	stream.linear.scatter [tilespmem:s15], [sflag:$0x6], $0x4000, $0x38;
	[tilespmem:$0x14C80] =	vst v63  }
0x2e: {  	s8 =	sadd.s32 $0x180, s0;
	s7 =	simm.s32 @!p0 $0x9  }
0x2f: {  	s9 =	smov.u32 s6;
	p1 =	slt.s32 s8, s6;
	_ =	swait.ge @!p0 [sflag:s7], $0x4000  }
0x30: {  	s9 =	smov.u32 @p1 s8;
	[sflag:s7] =	ssyncset.done @!p0 $0x0  }
0x31: {  	s13 =	ssub.s32 s9, s5;
	[sflag:s7] =	ssyncadd.s32 @!p0 $0xFFFFC000;
	s7 =	sadd.s32 $0x80, s0  }
0x32: {  	[tilespmem:s19], [sflag:$0x4] =	stream.indirect.gather [hbm4b:s1+s14], $0x80, s13, s14, $0xb8;
	[tilespmem:$0x14C80] =	vst v63  }
0x33: {  	s8 =	smov.u32 s6;
	p1 =	slt.s32 s7, s6  }
0x34: {  	_ =	swait.ge [sflag:s20], $0x4000;
	s8 =	smov.u32 @p1 s7  }
0x35: {  	[sflag:s20] =	ssyncset.done $0x0;
	s7 =	sshll.u32 s8, $0x4  }
0x36: {  	[sflag:s20] =	ssyncadd.s32 $0xFFFFC000;
	s7 =	sadd.s32 s3, s7  }
0x37: {  	[hbm4b:s7+s4] =	stream.linear.scatter [tilespmem:s16], [sflag:$0x7], $0x4000, $0x38;
	[tilespmem:$0x14C80] =	vst v63  }
0x38: {  	s8 =	sadd.s32 $0x200, s0;
	s7 =	simm.s32 @!p0 $0xA  }
0x39: {  	s10 =	smov.u32 s6;
	p1 =	slt.s32 s8, s6;
	_ =	swait.ge @!p0 [sflag:s7], $0x4000  }
0x3a: {  	s10 =	smov.u32 @p1 s8;
	[sflag:s7] =	ssyncset.done @!p0 $0x0  }
0x3b: {  	s8 =	ssub.s32 s10, s5;
	[sflag:s7] =	ssyncadd.s32 @!p0 $0xFFFFC000;
	s7 =	sadd.s32 $0x100, s0  }
0x3c: {  	[tilespmem:s21], [sflag:$0x5] =	stream.indirect.gather [hbm4b:s1+s14], $0x80, s8, s14, $0xb8;
	[tilespmem:$0x14C80] =	vst v63  }
0x3d: {  	p0 =	slt.s32 s7, s6;
	s8 =	smov.u32 s6  }
0x3e: {  	_ =	swait.ge [sflag:s22], $0x4000;
	s8 =	smov.u32 @p0 s7  }
0x3f: {  	[sflag:s22] =	ssyncset.done $0x0;
	s7 =	sshll.u32 s8, $0x4  }
0x40: {  	p0 =	seq.s32 s2, $0xA00;
	[sflag:s22] =	ssyncadd.s32 $0xFFFFC000;
	s7 =	sadd.s32 s3, s7  }
0x41: {  	[hbm4b:s7+s4] =	stream.linear.scatter [tilespmem:s17], [sflag:$0x8], $0x4000, $0x38;
	[tilespmem:$0x14C80] =	vst v63  }
0x42: {  	s7 =	sadd.s32 @!p0 s2, s12  }
0x43: {  	s8 =	sadd.s32 @!p0 $0x280, s7  }
0x44: {  	p1 =	slt.s32 @!p0 s8, s6  }
0x45: {  	_ =	swait.ge [sflag:s23], $0x4000;
	p1 =	por !p1, p0  }
0x46: {  	s11 =	simm.s32 @!p0 $0x80;
	[sflag:s23] =	ssyncset.done $0x0;
	s8 =	smov.u32 @p1 s6  }
0x47: {  	s13 =	simm.s32 @!p0 $0xC80;
	[sflag:s23] =	ssyncadd.s32 $0xFFFFC000;
	s8 =	ssub.s32 @!p0 s8, s5  }
0x48: {  	[tilespmem:s13], [sflag:$0x1] =	stream.indirect.gather @!p0 [hbm4b:s1+s11], $0x80, s8, s11, $0xb8;
	[tilespmem:$0x14C80] =	vst v63  }
0x49: {  	_ =	swait.ge [sflag:s24], $0x4000  }
0x4a: {  	s9 =	sshll.u32 s9, $0x4;
	s7 =	sadd.s32 @!p0 $0x300, s7;
	[sflag:s24] =	ssyncset.done $0x0  }
0x4b: {  	p1 =	slt.s32 @!p0 s7, s6;
	s8 =	sadd.s32 s3, s9;
	[sflag:s24] =	ssyncadd.s32 $0xFFFFC000  }
0x4c: {  	[hbm4b:s8+s4] =	stream.linear.scatter [tilespmem:s19], [sflag:$0x9], $0x4000, $0x38;
	[tilespmem:$0x14C80] =	vst v63  }
0x4d: {  	p1 =	por !p1, p0;
	_ =	swait.ge [sflag:s25], $0x4000  }
0x4e: {  	s7 =	smov.u32 @p1 s6;
	[sflag:s25] =	ssyncset.done $0x0  }
0x4f: {  	s7 =	ssub.s32 @!p0 s7, s5;
	s8 =	simm.s32 @!p0 $0x4C80;
	[sflag:s25] =	ssyncadd.s32 $0xFFFFC000  }
0x50: {  	[tilespmem:s8], [sflag:$0x2] =	stream.indirect.gather @!p0 [hbm4b:s1+s11], $0x80, s7, s11, $0xb8;
	[tilespmem:$0x14C80] =	vst v63  }
0x51: {  	_ =	swait.ge [sflag:s26], $0x4000  }
0x52: {  	s13 =	sshll.u32 s10, $0x4;
	[sflag:s26] =	ssyncset.done $0x0  }
.Ltmp2:
0x53: {  	s7 =	sadd.s32 s3, s13;
	[sflag:s26] =	ssyncadd.s32 $0xFFFFC000;
	(pc) =	sbr.rel @p0 .LBB2_4-.Ltmp2, $4  }
0x54: {  	[hbm4b:s7+s4] =	stream.linear.scatter [tilespmem:s21], [sflag:$0xA], $0x4000, $0x38;
	[tilespmem:$0x14C80] =	vst v63  }
0x55: {  	_ =	swait.ge [sflag:s28], $0x4000  }
0x56: {  	[sflag:s28] =	ssyncset.done $0x0  }
0x57: {  	[sflag:s28] =	ssyncadd.s32 $0xFFFFC000  }
.Ltmp3:
0x58: {  	s0 =	sadd.s32 $0x380, s0;
	(pc) =	sbr.rel .LBB2_2-.Ltmp3, $4  }
0x59: {  	s7 =	smov.u32 s6;
	p0 =	slt.s32 s0, s6  }
0x5a: {  	s7 =	smov.u32 @p0 s0  }
0x5b: {  	s2 =	sadd.s32 $0x280, s2;
	s0 =	ssub.s32 s7, s5  }
0x5c: {  	[tilespmem:s17], [sflag:$0x3] =	stream.indirect.gather [hbm4b:s1+s14], $0x80, s0, s14, $0xb8;
	[tilespmem:$0x14C80] =	vst v63  }
.LBB2_5:
0x5d: {  	_ =	sfence.sel $0x180000  }
0x5e: {  	[bflag:$0x0] =	sbarrier.arrive $0xFFFF  }
0x5f: {  	_ =	strace $0x90000047  }
0x60: {  	s0 =	stileid.u32;
	[bflag:$0x2] =	sbarrier.arrive $0xFFFF  }
0x61: {  	p0 =	sne.s32 s0, $0x0;
	s0 =	rddreg [dreg:$0x3]  }
0x62: {  	s0 =	sadd.s32 @!p0 $0x100000, s0  }
0x63: {  	[sflag:s0] =	ssyncadd.tile.s32 @!p0 $0x1;
	_ =	shalt  }
.Lfunc_end2:
_tile_overlayer_lowered:
.L_overlay_start_2:
0x64: {  	(tag) =	ssettag $0x2  }
0x65: {  	s0 =	rddreg [dreg:$0x0];
	s2 =	stileid.u32  }
0x66: {  	s1 =	rddreg [dreg:$0x1];
	p0 =	sne.s32 s2, $0x0  }
0x67: {  	s3 =	rddreg [dreg:$0x2];
	[bflag:$0x3] =	sbarrier.arrive $0xFFFF;
	s2 =	simm.s32 @!p0 $0x1C0B  }
0x68: {  	[timem:s3], [sflag:s2] =	dma.local @!p0 [hbm:s0], s1  }
0x69: {  	s0 =	simm.s32 @!p0 $0xB  }
0x6a: {  	_ =	swait.ge @!p0 [sflag:s0], s1  }
0x6b: {  	s1 =	ssub.s32 @!p0 $0x0, s1;
	[sflag:s0] =	ssyncset.done @!p0 $0x0  }
0x6c: {  	[sflag:s0] =	ssyncadd.s32 @!p0 s1  }
0x6d: {  	[bflag:$0x3] =	sbarrier.arrive $0xFFFF  }
0x6e: {  	_ =	shalt  }

</sc_bundles>
